<compile_context>
chip_gen: v7x
topology: tpu7x:2x2x1
jax: 0.10.2.dev20260603
libtpu: 0.0.44.dev20260713+nightly
codegen_flags: <defaults>
</compile_context>

<pallas_src>
import functools

import jax
import jax.numpy as jnp
from jax import lax
from jax.experimental import pallas as pl
from jax.experimental.pallas import tpu as pltpu
from jax.experimental.pallas import tpu_sc as plsc

_B = 4096
_D = 256
_NW = 32
_RPW = _B // _NW
_LC = _D // 16
_NS = 10

_SAMPLE_IDX = (3963, 3377, 3489, 1482, 3862, 2808, 3665, 1096, 1034, 3321)


_HALF = _RPW // 2


def _sc_body(state_hbm, partials_hbm, buf, accv, sem0, sem1):
    wid = lax.axis_index("s") * 2 + lax.axis_index("c")
    base = wid * _RPW
    cp0 = pltpu.async_copy(
        state_hbm.at[pl.ds(base, _HALF)], buf.at[pl.ds(0, _HALF)], sem0)
    cp1 = pltpu.async_copy(
        state_hbm.at[pl.ds(base + _HALF, _HALF)],
        buf.at[pl.ds(_HALF, _HALF)], sem1)

    def row_body(r, accs):
        out = list(accs)
        for c in range(_LC):
            v = buf[r, pl.ds(c * 16, 16)]
            out[c] = out[c] + v
            out[_LC + c] = out[_LC + c] + v * v
        return tuple(out)

    zero = jnp.zeros((16,), jnp.float32)
    accs = tuple(zero for _ in range(2 * _LC))
    cp0.wait()
    accs = lax.fori_loop(0, _HALF, row_body, accs)
    cp1.wait()
    accs = lax.fori_loop(_HALF, _RPW, row_body, accs)

    for c in range(_LC):
        accv[pl.ds(c * 16, 16)] = accs[c]
        accv[pl.ds(_D + c * 16, 16)] = accs[_LC + c]
    pltpu.sync_copy(accv, partials_hbm.at[wid])


_sc_stage = functools.partial(
    pl.kernel,
    out_type=jax.ShapeDtypeStruct((_NW, 2 * _D), jnp.float32),
    mesh=plsc.VectorSubcoreMesh(core_axis_name="c", subcore_axis_name="s"),
    scratch_types=[
        pltpu.VMEM((_RPW, _D), jnp.float32),
        pltpu.VMEM((2 * _D,), jnp.float32),
        pltpu.SemaphoreType.DMA,
        pltpu.SemaphoreType.DMA,
    ],
)(_sc_body)


def _tc_body(partials_ref, *refs):
    row_refs = refs[:_NS]
    d_ref, e_ref, t_ref = refs[_NS:]

    p = partials_ref[...]
    sums = jnp.sum(p[:, :_D], axis=0, keepdims=True)
    sumsq = jnp.sum(p[:, _D:], axis=0, keepdims=True)
    n = jnp.float32(_B)
    var = (sumsq - sums * sums * (1.0 / n)) / (n - 1.0)
    tv = jnp.sum(var)
    nv = var / tv
    eff = 1.0 / (jnp.sum(nv * nv) + 1e-6)

    s = jnp.concatenate(
        [r[(idx % 8):(idx % 8) + 1, :]
         for idx, r in zip(_SAMPLE_IDX, row_refs)], axis=0)
    total = jnp.float32(0.0)
    for i in range(_NS):
        diff = s - s[i:i + 1, :]
        d2 = jnp.sum(diff * diff, axis=1, keepdims=True)
        dist = jnp.where(d2 > 1e-12, jnp.sqrt(jnp.maximum(d2, 1e-12)), 0.0)
        total = total + jnp.sum(dist)
    avg = total / (_NS * (_NS - 1) + 1e-6)

    d_ref[0, 0] = jnp.sqrt(tv) * avg
    e_ref[0, 0] = eff
    t_ref[0, 0] = tv


def _row_spec(row):
    return pl.BlockSpec((8, _D), lambda i, r=row: (r // 8, 0))


def _tc_finish(partials, state):
    return pl.pallas_call(
        _tc_body,
        grid=(1,),
        out_shape=[jax.ShapeDtypeStruct((1, 1), jnp.float32)] * 3,
        in_specs=[pl.BlockSpec((_NW, 2 * _D), lambda i: (0, 0))]
        + [_row_spec(r) for r in _SAMPLE_IDX],
        out_specs=[pl.BlockSpec(memory_space=pltpu.SMEM)] * 3,
    )(partials, *([state] * _NS))


def kernel(state, state_memory):
    del state_memory
    partials = _sc_stage(state)
    d, e, t = _tc_finish(partials, state)
    return (d[0, 0], e[0, 0], t[0, 0])

# --- scband reference (transcript-rebuilt; emitter-appended) ---
"""Pipeline reference for scband-differentiation-measure-5007931867608 (READ-ONLY COPY).

The authoritative reference and input builder live on the scoring server;
editing this copy changes nothing except your own understanding.
"""

import jax, jax.numpy as jnp
import numpy as np


def _safe_cdist(a, b):
    # Euclidean pairwise distance, numerically safe at zero (matches torch.cdist p=2)
    d2 = jnp.sum((a[:, None, :] - b[None, :, :]) ** 2, axis=-1)
    eps = 1e-12
    d2s = jnp.where(d2 > eps, d2, eps)
    return jnp.where(d2 > eps, jnp.sqrt(d2s), 0.0)


def setup_inputs(seed: int = 0) -> dict:
    key = jax.random.key(seed)
    k1, k2 = jax.random.split(key)
    state = jax.random.normal(k1, (4096, 256), dtype=jnp.float32)
    state_memory = jnp.zeros((100000, 256), dtype=jnp.float32)
    return {"state": state, "state_memory": state_memory}


def reference(state, state_memory):
    # state: (B, D); state_memory: (M, D) circular buffer, ptr starts at 0, unfilled.
    B, D = state.shape
    M = state_memory.shape[0]
    # circular scatter-overwrite of the batch into the memory buffer (ptr=0)
    idx = jnp.arange(B) % M
    mem_buf = state_memory.at[idx].set(state)
    new_ptr = B % M
    filled = B >= M
    if filled:
        memory = mem_buf
    else:
        memory = mem_buf[:new_ptr]
    n = memory.shape[0]
    # per-dimension variance (torch default: unbiased, ddof=1)
    dim_variance = jnp.var(memory, axis=0, ddof=1)
    total_variance = jnp.sum(dim_variance)
    # effective number of states via participation ratio
    normalized_var = dim_variance / total_variance
    eff_dim = 1.0 / (jnp.sum(normalized_var ** 2) + 1e-06)
    # sample up to 10 states for pairwise distance estimate
    if n > 10:
        perm = jax.random.permutation(jax.random.key(42), n)[:10]
        sample = memory[perm]
    else:
        sample = memory
    ns = sample.shape[0]
    dists = _safe_cdist(sample, sample)
    avg_dist = jnp.sum(dists) / (ns * (ns - 1) + 1e-06)
    differentiation = jnp.sqrt(total_variance) * avg_dist
    return (differentiation, eff_dim, total_variance)

if __name__ == "__main__":
    import jax
    _d = setup_inputs()
    print(jax.jit(kernel)(*tuple(_d.values())))

</pallas_src>

<mosaic_0001>
#map = affine_map<(d0, d1) -> (0, 0)>
module attributes {stable_mosaic.version = 14 : i64} {
  func.func @_sc_body(%arg0: i32, %arg1: i32, %arg2: memref<4096x256xf32, #tpu.memory_space<hbm>>, %arg3: memref<32x512xf32, #tpu.memory_space<hbm>>, %arg4: memref<128x256xf32, #tpu.memory_space<vmem>>, %arg5: memref<512xf32, #tpu.memory_space<vmem>>, %arg6: memref<!tpu.dma_semaphore, #tpu.memory_space<semaphore_mem>>, %arg7: memref<!tpu.dma_semaphore, #tpu.memory_space<semaphore_mem>>) attributes {dimension_semantics = [#tpu.dimension_semantics<core_parallel>, #tpu.dimension_semantics<subcore_parallel>], iteration_bounds = array<i64: 2, 16>, scalar_prefetch = 0 : i64, scratch_operands = 4 : i64, tpu.core_type = #tpu.core_type<sc_vector_subcore>, window_params = [{transform_indices = #map}, {transform_indices = #map}]} {
    %mul3A = arith.constant 2 : i32
    %mul3A_0 = arith.muli %arg1, %mul3A : i32
    %add3A = arith.addi %mul3A_0, %arg0 : i32
    %mul3A_1 = arith.constant 128 : i32
    %mul3A_2 = arith.muli %add3A, %mul3A_1 : i32
    %dma_start3A = arith.constant 0 : i32
    %dma_start3A_3 = arith.constant 0 : i32
    %dma_start3A_4 = tpu.memref_slice %arg4[%dma_start3A, %dma_start3A_3] : memref<128x256xf32, #tpu.memory_space<vmem>> -> memref<64x256xf32, #tpu.memory_space<vmem>>
    %dma_start3A_5 = arith.constant 0 : i32
    %dma_start3A_6 = tpu.memref_slice %arg2[%mul3A_2, %dma_start3A_5] : memref<4096x256xf32, #tpu.memory_space<hbm>> -> memref<64x256xf32, #tpu.memory_space<hbm>>
    %dma_start3A_7 = arith.constant 0 : i32
    %dma_start3A_8 = arith.constant 0 : i32
    %dma_start3A_9 = tpu.memref_slice %arg4[%dma_start3A_7, %dma_start3A_8] : memref<128x256xf32, #tpu.memory_space<vmem>> -> memref<64x256xf32, #tpu.memory_space<vmem>>
    %dma_start3A_10 = arith.constant 0 : i32
    %dma_start3A_11 = tpu.memref_slice %arg2[%mul3A_2, %dma_start3A_10] : memref<4096x256xf32, #tpu.memory_space<hbm>> -> memref<64x256xf32, #tpu.memory_space<hbm>>
    tpu.enqueue_dma source(%dma_start3A_11 : memref<64x256xf32, #tpu.memory_space<hbm>>) target(%dma_start3A_9 : memref<64x256xf32, #tpu.memory_space<vmem>>) target_semaphore(%arg6 : memref<!tpu.dma_semaphore, #tpu.memory_space<semaphore_mem>>)
    %add3A_12 = arith.constant 64 : i32
    %add3A_13 = arith.addi %mul3A_2, %add3A_12 : i32
    %dma_start3A_14 = arith.constant 64 : i32
    %dma_start3A_15 = arith.constant 0 : i32
    %dma_start3A_16 = tpu.memref_slice %arg4[%dma_start3A_14, %dma_start3A_15] : memref<128x256xf32, #tpu.memory_space<vmem>> -> memref<64x256xf32, #tpu.memory_space<vmem>>
    %dma_start3A_17 = arith.constant 0 : i32
    %dma_start3A_18 = tpu.memref_slice %arg2[%add3A_13, %dma_start3A_17] : memref<4096x256xf32, #tpu.memory_space<hbm>> -> memref<64x256xf32, #tpu.memory_space<hbm>>
    %dma_start3A_19 = arith.constant 64 : i32
    %dma_start3A_20 = arith.constant 0 : i32
    %dma_start3A_21 = tpu.memref_slice %arg4[%dma_start3A_19, %dma_start3A_20] : memref<128x256xf32, #tpu.memory_space<vmem>> -> memref<64x256xf32, #tpu.memory_space<vmem>>
    %dma_start3A_22 = arith.constant 0 : i32
    %dma_start3A_23 = tpu.memref_slice %arg2[%add3A_13, %dma_start3A_22] : memref<4096x256xf32, #tpu.memory_space<hbm>> -> memref<64x256xf32, #tpu.memory_space<hbm>>
    tpu.enqueue_dma source(%dma_start3A_23 : memref<64x256xf32, #tpu.memory_space<hbm>>) target(%dma_start3A_21 : memref<64x256xf32, #tpu.memory_space<vmem>>) target_semaphore(%arg7 : memref<!tpu.dma_semaphore, #tpu.memory_space<semaphore_mem>>)
    %broadcast_in_dim3A = arith.constant 0.000000e+00 : f32
    %broadcast_in_dim3A_24 = vector.broadcast %broadcast_in_dim3A : f32 to vector<16xf32>
    %dma_wait3A = arith.constant 0 : i32
    %dma_wait3A_25 = arith.constant 0 : i32
    %dma_wait3A_26 = tpu.memref_slice %arg4[%dma_wait3A, %dma_wait3A_25] : memref<128x256xf32, #tpu.memory_space<vmem>> -> memref<64x256xf32, #tpu.memory_space<vmem>>
    %dma_wait3A_27 = arith.constant 0 : i32
    %dma_wait3A_28 = tpu.memref_slice %arg2[%mul3A_2, %dma_wait3A_27] : memref<4096x256xf32, #tpu.memory_space<hbm>> -> memref<64x256xf32, #tpu.memory_space<hbm>>
    %dma_wait3A_29 = arith.constant 0 : i32
    %dma_wait3A_30 = arith.constant 0 : i32
    %dma_wait3A_31 = tpu.memref_slice %arg4[%dma_wait3A_29, %dma_wait3A_30] : memref<128x256xf32, #tpu.memory_space<vmem>> -> memref<64x256xf32, #tpu.memory_space<vmem>>
    %dma_wait3A_32 = arith.constant 0 : i32
    %dma_wait3A_33 = tpu.memref_slice %arg2[%mul3A_2, %dma_wait3A_32] : memref<4096x256xf32, #tpu.memory_space<hbm>> -> memref<64x256xf32, #tpu.memory_space<hbm>>
    tpu.wait_dma2 semaphore(%arg6 : memref<!tpu.dma_semaphore, #tpu.memory_space<semaphore_mem>>) src(%dma_wait3A_33 : memref<64x256xf32, #tpu.memory_space<hbm>>) dst(%dma_wait3A_31 : memref<64x256xf32, #tpu.memory_space<vmem>>)
    %scan3A = arith.constant 0 : i32
    %scan3A_34 = arith.constant 64 : i32
    %scan3A_35 = arith.addi %scan3A, %scan3A_34 : i32
    %scan3A_36 = arith.constant 1 : i32
    %scan3A_37:32 = scf.for %scan3A_182 = %scan3A to %scan3A_35 step %scan3A_36 iter_args(%scan3A_183 = %broadcast_in_dim3A_24, %scan3A_184 = %broadcast_in_dim3A_24, %scan3A_185 = %broadcast_in_dim3A_24, %scan3A_186 = %broadcast_in_dim3A_24, %scan3A_187 = %broadcast_in_dim3A_24, %scan3A_188 = %broadcast_in_dim3A_24, %scan3A_189 = %broadcast_in_dim3A_24, %scan3A_190 = %broadcast_in_dim3A_24, %scan3A_191 = %broadcast_in_dim3A_24, %scan3A_192 = %broadcast_in_dim3A_24, %scan3A_193 = %broadcast_in_dim3A_24, %scan3A_194 = %broadcast_in_dim3A_24, %scan3A_195 = %broadcast_in_dim3A_24, %scan3A_196 = %broadcast_in_dim3A_24, %scan3A_197 = %broadcast_in_dim3A_24, %scan3A_198 = %broadcast_in_dim3A_24, %scan3A_199 = %broadcast_in_dim3A_24, %scan3A_200 = %broadcast_in_dim3A_24, %scan3A_201 = %broadcast_in_dim3A_24, %scan3A_202 = %broadcast_in_dim3A_24, %scan3A_203 = %broadcast_in_dim3A_24, %scan3A_204 = %broadcast_in_dim3A_24, %scan3A_205 = %broadcast_in_dim3A_24, %scan3A_206 = %broadcast_in_dim3A_24, %scan3A_207 = %broadcast_in_dim3A_24, %scan3A_208 = %broadcast_in_dim3A_24, %scan3A_209 = %broadcast_in_dim3A_24, %scan3A_210 = %broadcast_in_dim3A_24, %scan3A_211 = %broadcast_in_dim3A_24, %scan3A_212 = %broadcast_in_dim3A_24, %scan3A_213 = %broadcast_in_dim3A_24, %scan3A_214 = %broadcast_in_dim3A_24) -> (vector<16xf32>, vector<16xf32>, vector<16xf32>, vector<16xf32>, vector<16xf32>, vector<16xf32>, vector<16xf32>, vector<16xf32>, vector<16xf32>, vector<16xf32>, vector<16xf32>, vector<16xf32>, vector<16xf32>, vector<16xf32>, vector<16xf32>, vector<16xf32>, vector<16xf32>, vector<16xf32>, vector<16xf32>, vector<16xf32>, vector<16xf32>, vector<16xf32>, vector<16xf32>, vector<16xf32>, vector<16xf32>, vector<16xf32>, vector<16xf32>, vector<16xf32>, vector<16xf32>, vector<16xf32>, vector<16xf32>, vector<16xf32>)  : i32 {
      %get3A = arith.index_cast %scan3A_182 : i32 to index
      %get3A_215 = arith.constant 0 : index
      %get3A_216 = tpu.vector_load %arg4[%get3A, %get3A_215] {strides = array<i32>} : memref<128x256xf32, #tpu.memory_space<vmem>>, vector<1x16xf32>,
      %get3A_217 = vector.shape_cast %get3A_216 : vector<1x16xf32> to vector<16xf32>
      %add3A_218 = arith.addf %scan3A_183, %get3A_217 : vector<16xf32>
      %mul3A_219 = arith.mulf %get3A_217, %get3A_217 : vector<16xf32>
      %add3A_220 = arith.addf %scan3A_199, %mul3A_219 : vector<16xf32>
      %get3A_221 = arith.index_cast %scan3A_182 : i32 to index
      %get3A_222 = arith.constant 16 : index
      %get3A_223 = tpu.vector_load %arg4[%get3A_221, %get3A_222] {strides = array<i32>} : memref<128x256xf32, #tpu.memory_space<vmem>>, vector<1x16xf32>,
      %get3A_224 = vector.shape_cast %get3A_223 : vector<1x16xf32> to vector<16xf32>
      %add3A_225 = arith.addf %scan3A_184, %get3A_224 : vector<16xf32>
      %mul3A_226 = arith.mulf %get3A_224, %get3A_224 : vector<16xf32>
      %add3A_227 = arith.addf %scan3A_200, %mul3A_226 : vector<16xf32>
      %get3A_228 = arith.index_cast %scan3A_182 : i32 to index
      %get3A_229 = arith.constant 32 : index
      %get3A_230 = tpu.vector_load %arg4[%get3A_228, %get3A_229] {strides = array<i32>} : memref<128x256xf32, #tpu.memory_space<vmem>>, vector<1x16xf32>,
      %get3A_231 = vector.shape_cast %get3A_230 : vector<1x16xf32> to vector<16xf32>
      %add3A_232 = arith.addf %scan3A_185, %get3A_231 : vector<16xf32>
      %mul3A_233 = arith.mulf %get3A_231, %get3A_231 : vector<16xf32>
      %add3A_234 = arith.addf %scan3A_201, %mul3A_233 : vector<16xf32>
      %get3A_235 = arith.index_cast %scan3A_182 : i32 to index
      %get3A_236 = arith.constant 48 : index
      %get3A_237 = tpu.vector_load %arg4[%get3A_235, %get3A_236] {strides = array<i32>} : memref<128x256xf32, #tpu.memory_space<vmem>>, vector<1x16xf32>,
      %get3A_238 = vector.shape_cast %get3A_237 : vector<1x16xf32> to vector<16xf32>
      %add3A_239 = arith.addf %scan3A_186, %get3A_238 : vector<16xf32>
      %mul3A_240 = arith.mulf %get3A_238, %get3A_238 : vector<16xf32>
      %add3A_241 = arith.addf %scan3A_202, %mul3A_240 : vector<16xf32>
      %get3A_242 = arith.index_cast %scan3A_182 : i32 to index
      %get3A_243 = arith.constant 64 : index
      %get3A_244 = tpu.vector_load %arg4[%get3A_242, %get3A_243] {strides = array<i32>} : memref<128x256xf32, #tpu.memory_space<vmem>>, vector<1x16xf32>,
      %get3A_245 = vector.shape_cast %get3A_244 : vector<1x16xf32> to vector<16xf32>
      %add3A_246 = arith.addf %scan3A_187, %get3A_245 : vector<16xf32>
      %mul3A_247 = arith.mulf %get3A_245, %get3A_245 : vector<16xf32>
      %add3A_248 = arith.addf %scan3A_203, %mul3A_247 : vector<16xf32>
      %get3A_249 = arith.index_cast %scan3A_182 : i32 to index
      %get3A_250 = arith.constant 80 : index
      %get3A_251 = tpu.vector_load %arg4[%get3A_249, %get3A_250] {strides = array<i32>} : memref<128x256xf32, #tpu.memory_space<vmem>>, vector<1x16xf32>,
      %get3A_252 = vector.shape_cast %get3A_251 : vector<1x16xf32> to vector<16xf32>
      %add3A_253 = arith.addf %scan3A_188, %get3A_252 : vector<16xf32>
      %mul3A_254 = arith.mulf %get3A_252, %get3A_252 : vector<16xf32>
      %add3A_255 = arith.addf %scan3A_204, %mul3A_254 : vector<16xf32>
      %get3A_256 = arith.index_cast %scan3A_182 : i32 to index
      %get3A_257 = arith.constant 96 : index
      %get3A_258 = tpu.vector_load %arg4[%get3A_256, %get3A_257] {strides = array<i32>} : memref<128x256xf32, #tpu.memory_space<vmem>>, vector<1x16xf32>,
      %get3A_259 = vector.shape_cast %get3A_258 : vector<1x16xf32> to vector<16xf32>
      %add3A_260 = arith.addf %scan3A_189, %get3A_259 : vector<16xf32>
      %mul3A_261 = arith.mulf %get3A_259, %get3A_259 : vector<16xf32>
      %add3A_262 = arith.addf %scan3A_205, %mul3A_261 : vector<16xf32>
      %get3A_263 = arith.index_cast %scan3A_182 : i32 to index
      %get3A_264 = arith.constant 112 : index
      %get3A_265 = tpu.vector_load %arg4[%get3A_263, %get3A_264] {strides = array<i32>} : memref<128x256xf32, #tpu.memory_space<vmem>>, vector<1x16xf32>,
      %get3A_266 = vector.shape_cast %get3A_265 : vector<1x16xf32> to vector<16xf32>
      %add3A_267 = arith.addf %scan3A_190, %get3A_266 : vector<16xf32>
      %mul3A_268 = arith.mulf %get3A_266, %get3A_266 : vector<16xf32>
      %add3A_269 = arith.addf %scan3A_206, %mul3A_268 : vector<16xf32>
      %get3A_270 = arith.index_cast %scan3A_182 : i32 to index
      %get3A_271 = arith.constant 128 : index
      %get3A_272 = tpu.vector_load %arg4[%get3A_270, %get3A_271] {strides = array<i32>} : memref<128x256xf32, #tpu.memory_space<vmem>>, vector<1x16xf32>,
      %get3A_273 = vector.shape_cast %get3A_272 : vector<1x16xf32> to vector<16xf32>
      %add3A_274 = arith.addf %scan3A_191, %get3A_273 : vector<16xf32>
      %mul3A_275 = arith.mulf %get3A_273, %get3A_273 : vector<16xf32>
      %add3A_276 = arith.addf %scan3A_207, %mul3A_275 : vector<16xf32>
      %get3A_277 = arith.index_cast %scan3A_182 : i32 to index
      %get3A_278 = arith.constant 144 : index
      %get3A_279 = tpu.vector_load %arg4[%get3A_277, %get3A_278] {strides = array<i32>} : memref<128x256xf32, #tpu.memory_space<vmem>>, vector<1x16xf32>,
      %get3A_280 = vector.shape_cast %get3A_279 : vector<1x16xf32> to vector<16xf32>
      %add3A_281 = arith.addf %scan3A_192, %get3A_280 : vector<16xf32>
      %mul3A_282 = arith.mulf %get3A_280, %get3A_280 : vector<16xf32>
      %add3A_283 = arith.addf %scan3A_208, %mul3A_282 : vector<16xf32>
      %get3A_284 = arith.index_cast %scan3A_182 : i32 to index
      %get3A_285 = arith.constant 160 : index
      %get3A_286 = tpu.vector_load %arg4[%get3A_284, %get3A_285] {strides = array<i32>} : memref<128x256xf32, #tpu.memory_space<vmem>>, vector<1x16xf32>,
      %get3A_287 = vector.shape_cast %get3A_286 : vector<1x16xf32> to vector<16xf32>
      %add3A_288 = arith.addf %scan3A_193, %get3A_287 : vector<16xf32>
      %mul3A_289 = arith.mulf %get3A_287, %get3A_287 : vector<16xf32>
      %add3A_290 = arith.addf %scan3A_209, %mul3A_289 : vector<16xf32>
      %get3A_291 = arith.index_cast %scan3A_182 : i32 to index
      %get3A_292 = arith.constant 176 : index
      %get3A_293 = tpu.vector_load %arg4[%get3A_291, %get3A_292] {strides = array<i32>} : memref<128x256xf32, #tpu.memory_space<vmem>>, vector<1x16xf32>,
      %get3A_294 = vector.shape_cast %get3A_293 : vector<1x16xf32> to vector<16xf32>
      %add3A_295 = arith.addf %scan3A_194, %get3A_294 : vector<16xf32>
      %mul3A_296 = arith.mulf %get3A_294, %get3A_294 : vector<16xf32>
      %add3A_297 = arith.addf %scan3A_210, %mul3A_296 : vector<16xf32>
      %get3A_298 = arith.index_cast %scan3A_182 : i32 to index
      %get3A_299 = arith.constant 192 : index
      %get3A_300 = tpu.vector_load %arg4[%get3A_298, %get3A_299] {strides = array<i32>} : memref<128x256xf32, #tpu.memory_space<vmem>>, vector<1x16xf32>,
      %get3A_301 = vector.shape_cast %get3A_300 : vector<1x16xf32> to vector<16xf32>
      %add3A_302 = arith.addf %scan3A_195, %get3A_301 : vector<16xf32>
      %mul3A_303 = arith.mulf %get3A_301, %get3A_301 : vector<16xf32>
      %add3A_304 = arith.addf %scan3A_211, %mul3A_303 : vector<16xf32>
      %get3A_305 = arith.index_cast %scan3A_182 : i32 to index
      %get3A_306 = arith.constant 208 : index
      %get3A_307 = tpu.vector_load %arg4[%get3A_305, %get3A_306] {strides = array<i32>} : memref<128x256xf32, #tpu.memory_space<vmem>>, vector<1x16xf32>,
      %get3A_308 = vector.shape_cast %get3A_307 : vector<1x16xf32> to vector<16xf32>
      %add3A_309 = arith.addf %scan3A_196, %get3A_308 : vector<16xf32>
      %mul3A_310 = arith.mulf %get3A_308, %get3A_308 : vector<16xf32>
      %add3A_311 = arith.addf %scan3A_212, %mul3A_310 : vector<16xf32>
      %get3A_312 = arith.index_cast %scan3A_182 : i32 to index
      %get3A_313 = arith.constant 224 : index
      %get3A_314 = tpu.vector_load %arg4[%get3A_312, %get3A_313] {strides = array<i32>} : memref<128x256xf32, #tpu.memory_space<vmem>>, vector<1x16xf32>,
      %get3A_315 = vector.shape_cast %get3A_314 : vector<1x16xf32> to vector<16xf32>
      %add3A_316 = arith.addf %scan3A_197, %get3A_315 : vector<16xf32>
      %mul3A_317 = arith.mulf %get3A_315, %get3A_315 : vector<16xf32>
      %add3A_318 = arith.addf %scan3A_213, %mul3A_317 : vector<16xf32>
      %get3A_319 = arith.index_cast %scan3A_182 : i32 to index
      %get3A_320 = arith.constant 240 : index
      %get3A_321 = tpu.vector_load %arg4[%get3A_319, %get3A_320] {strides = array<i32>} : memref<128x256xf32, #tpu.memory_space<vmem>>, vector<1x16xf32>,
      %get3A_322 = vector.shape_cast %get3A_321 : vector<1x16xf32> to vector<16xf32>
      %add3A_323 = arith.addf %scan3A_198, %get3A_322 : vector<16xf32>
      %mul3A_324 = arith.mulf %get3A_322, %get3A_322 : vector<16xf32>
      %add3A_325 = arith.addf %scan3A_214, %mul3A_324 : vector<16xf32>
      scf.yield %add3A_218, %add3A_225, %add3A_232, %add3A_239, %add3A_246, %add3A_253, %add3A_260, %add3A_267, %add3A_274, %add3A_281, %add3A_288, %add3A_295, %add3A_302, %add3A_309, %add3A_316, %add3A_323, %add3A_220, %add3A_227, %add3A_234, %add3A_241, %add3A_248, %add3A_255, %add3A_262, %add3A_269, %add3A_276, %add3A_283, %add3A_290, %add3A_297, %add3A_304, %add3A_311, %add3A_318, %add3A_325 : vector<16xf32>, vector<16xf32>, vector<16xf32>, vector<16xf32>, vector<16xf32>, vector<16xf32>, vector<16xf32>, vector<16xf32>, vector<16xf32>, vector<16xf32>, vector<16xf32>, vector<16xf32>, vector<16xf32>, vector<16xf32>, vector<16xf32>, vector<16xf32>, vector<16xf32>, vector<16xf32>, vector<16xf32>, vector<16xf32>, vector<16xf32>, vector<16xf32>, vector<16xf32>, vector<16xf32>, vector<16xf32>, vector<16xf32>, vector<16xf32>, vector<16xf32>, vector<16xf32>, vector<16xf32>, vector<16xf32>, vector<16xf32>
    }
    %scan3A_38 = arith.constant 64 : i32
    %dma_wait3A_39 = arith.constant 64 : i32
    %dma_wait3A_40 = arith.constant 0 : i32
    %dma_wait3A_41 = tpu.memref_slice %arg4[%dma_wait3A_39, %dma_wait3A_40] : memref<128x256xf32, #tpu.memory_space<vmem>> -> memref<64x256xf32, #tpu.memory_space<vmem>>
    %dma_wait3A_42 = arith.constant 0 : i32
    %dma_wait3A_43 = tpu.memref_slice %arg2[%add3A_13, %dma_wait3A_42] : memref<4096x256xf32, #tpu.memory_space<hbm>> -> memref<64x256xf32, #tpu.memory_space<hbm>>
    %dma_wait3A_44 = arith.constant 64 : i32
    %dma_wait3A_45 = arith.constant 0 : i32
    %dma_wait3A_46 = tpu.memref_slice %arg4[%dma_wait3A_44, %dma_wait3A_45] : memref<128x256xf32, #tpu.memory_space<vmem>> -> memref<64x256xf32, #tpu.memory_space<vmem>>
    %dma_wait3A_47 = arith.constant 0 : i32
    %dma_wait3A_48 = tpu.memref_slice %arg2[%add3A_13, %dma_wait3A_47] : memref<4096x256xf32, #tpu.memory_space<hbm>> -> memref<64x256xf32, #tpu.memory_space<hbm>>
    tpu.wait_dma2 semaphore(%arg7 : memref<!tpu.dma_semaphore, #tpu.memory_space<semaphore_mem>>) src(%dma_wait3A_48 : memref<64x256xf32, #tpu.memory_space<hbm>>) dst(%dma_wait3A_46 : memref<64x256xf32, #tpu.memory_space<vmem>>)
    %scan3A_49 = arith.constant 64 : i32
    %scan3A_50 = arith.constant 64 : i32
    %scan3A_51 = arith.addi %scan3A_49, %scan3A_50 : i32
    %scan3A_52 = arith.constant 1 : i32
    %scan3A_53:32 = scf.for %scan3A_182 = %scan3A_49 to %scan3A_51 step %scan3A_52 iter_args(%scan3A_183 = %scan3A_37#0, %scan3A_184 = %scan3A_37#1, %scan3A_185 = %scan3A_37#2, %scan3A_186 = %scan3A_37#3, %scan3A_187 = %scan3A_37#4, %scan3A_188 = %scan3A_37#5, %scan3A_189 = %scan3A_37#6, %scan3A_190 = %scan3A_37#7, %scan3A_191 = %scan3A_37#8, %scan3A_192 = %scan3A_37#9, %scan3A_193 = %scan3A_37#10, %scan3A_194 = %scan3A_37#11, %scan3A_195 = %scan3A_37#12, %scan3A_196 = %scan3A_37#13, %scan3A_197 = %scan3A_37#14, %scan3A_198 = %scan3A_37#15, %scan3A_199 = %scan3A_37#16, %scan3A_200 = %scan3A_37#17, %scan3A_201 = %scan3A_37#18, %scan3A_202 = %scan3A_37#19, %scan3A_203 = %scan3A_37#20, %scan3A_204 = %scan3A_37#21, %scan3A_205 = %scan3A_37#22, %scan3A_206 = %scan3A_37#23, %scan3A_207 = %scan3A_37#24, %scan3A_208 = %scan3A_37#25, %scan3A_209 = %scan3A_37#26, %scan3A_210 = %scan3A_37#27, %scan3A_211 = %scan3A_37#28, %scan3A_212 = %scan3A_37#29, %scan3A_213 = %scan3A_37#30, %scan3A_214 = %scan3A_37#31) -> (vector<16xf32>, vector<16xf32>, vector<16xf32>, vector<16xf32>, vector<16xf32>, vector<16xf32>, vector<16xf32>, vector<16xf32>, vector<16xf32>, vector<16xf32>, vector<16xf32>, vector<16xf32>, vector<16xf32>, vector<16xf32>, vector<16xf32>, vector<16xf32>, vector<16xf32>, vector<16xf32>, vector<16xf32>, vector<16xf32>, vector<16xf32>, vector<16xf32>, vector<16xf32>, vector<16xf32>, vector<16xf32>, vector<16xf32>, vector<16xf32>, vector<16xf32>, vector<16xf32>, vector<16xf32>, vector<16xf32>, vector<16xf32>)  : i32 {
      %get3A = arith.index_cast %scan3A_182 : i32 to index
      %get3A_215 = arith.constant 0 : index
      %get3A_216 = tpu.vector_load %arg4[%get3A, %get3A_215] {strides = array<i32>} : memref<128x256xf32, #tpu.memory_space<vmem>>, vector<1x16xf32>,
      %get3A_217 = vector.shape_cast %get3A_216 : vector<1x16xf32> to vector<16xf32>
      %add3A_218 = arith.addf %scan3A_183, %get3A_217 : vector<16xf32>
      %mul3A_219 = arith.mulf %get3A_217, %get3A_217 : vector<16xf32>
      %add3A_220 = arith.addf %scan3A_199, %mul3A_219 : vector<16xf32>
      %get3A_221 = arith.index_cast %scan3A_182 : i32 to index
      %get3A_222 = arith.constant 16 : index
      %get3A_223 = tpu.vector_load %arg4[%get3A_221, %get3A_222] {strides = array<i32>} : memref<128x256xf32, #tpu.memory_space<vmem>>, vector<1x16xf32>,
      %get3A_224 = vector.shape_cast %get3A_223 : vector<1x16xf32> to vector<16xf32>
      %add3A_225 = arith.addf %scan3A_184, %get3A_224 : vector<16xf32>
      %mul3A_226 = arith.mulf %get3A_224, %get3A_224 : vector<16xf32>
      %add3A_227 = arith.addf %scan3A_200, %mul3A_226 : vector<16xf32>
      %get3A_228 = arith.index_cast %scan3A_182 : i32 to index
      %get3A_229 = arith.constant 32 : index
      %get3A_230 = tpu.vector_load %arg4[%get3A_228, %get3A_229] {strides = array<i32>} : memref<128x256xf32, #tpu.memory_space<vmem>>, vector<1x16xf32>,
      %get3A_231 = vector.shape_cast %get3A_230 : vector<1x16xf32> to vector<16xf32>
      %add3A_232 = arith.addf %scan3A_185, %get3A_231 : vector<16xf32>
      %mul3A_233 = arith.mulf %get3A_231, %get3A_231 : vector<16xf32>
      %add3A_234 = arith.addf %scan3A_201, %mul3A_233 : vector<16xf32>
      %get3A_235 = arith.index_cast %scan3A_182 : i32 to index
      %get3A_236 = arith.constant 48 : index
      %get3A_237 = tpu.vector_load %arg4[%get3A_235, %get3A_236] {strides = array<i32>} : memref<128x256xf32, #tpu.memory_space<vmem>>, vector<1x16xf32>,
      %get3A_238 = vector.shape_cast %get3A_237 : vector<1x16xf32> to vector<16xf32>
      %add3A_239 = arith.addf %scan3A_186, %get3A_238 : vector<16xf32>
      %mul3A_240 = arith.mulf %get3A_238, %get3A_238 : vector<16xf32>
      %add3A_241 = arith.addf %scan3A_202, %mul3A_240 : vector<16xf32>
      %get3A_242 = arith.index_cast %scan3A_182 : i32 to index
      %get3A_243 = arith.constant 64 : index
      %get3A_244 = tpu.vector_load %arg4[%get3A_242, %get3A_243] {strides = array<i32>} : memref<128x256xf32, #tpu.memory_space<vmem>>, vector<1x16xf32>,
      %get3A_245 = vector.shape_cast %get3A_244 : vector<1x16xf32> to vector<16xf32>
      %add3A_246 = arith.addf %scan3A_187, %get3A_245 : vector<16xf32>
      %mul3A_247 = arith.mulf %get3A_245, %get3A_245 : vector<16xf32>
      %add3A_248 = arith.addf %scan3A_203, %mul3A_247 : vector<16xf32>
      %get3A_249 = arith.index_cast %scan3A_182 : i32 to index
      %get3A_250 = arith.constant 80 : index
      %get3A_251 = tpu.vector_load %arg4[%get3A_249, %get3A_250] {strides = array<i32>} : memref<128x256xf32, #tpu.memory_space<vmem>>, vector<1x16xf32>,
      %get3A_252 = vector.shape_cast %get3A_251 : vector<1x16xf32> to vector<16xf32>
      %add3A_253 = arith.addf %scan3A_188, %get3A_252 : vector<16xf32>
      %mul3A_254 = arith.mulf %get3A_252, %get3A_252 : vector<16xf32>
      %add3A_255 = arith.addf %scan3A_204, %mul3A_254 : vector<16xf32>
      %get3A_256 = arith.index_cast %scan3A_182 : i32 to index
      %get3A_257 = arith.constant 96 : index
      %get3A_258 = tpu.vector_load %arg4[%get3A_256, %get3A_257] {strides = array<i32>} : memref<128x256xf32, #tpu.memory_space<vmem>>, vector<1x16xf32>,
      %get3A_259 = vector.shape_cast %get3A_258 : vector<1x16xf32> to vector<16xf32>
      %add3A_260 = arith.addf %scan3A_189, %get3A_259 : vector<16xf32>
      %mul3A_261 = arith.mulf %get3A_259, %get3A_259 : vector<16xf32>
      %add3A_262 = arith.addf %scan3A_205, %mul3A_261 : vector<16xf32>
      %get3A_263 = arith.index_cast %scan3A_182 : i32 to index
      %get3A_264 = arith.constant 112 : index
      %get3A_265 = tpu.vector_load %arg4[%get3A_263, %get3A_264] {strides = array<i32>} : memref<128x256xf32, #tpu.memory_space<vmem>>, vector<1x16xf32>,
      %get3A_266 = vector.shape_cast %get3A_265 : vector<1x16xf32> to vector<16xf32>
      %add3A_267 = arith.addf %scan3A_190, %get3A_266 : vector<16xf32>
      %mul3A_268 = arith.mulf %get3A_266, %get3A_266 : vector<16xf32>
      %add3A_269 = arith.addf %scan3A_206, %mul3A_268 : vector<16xf32>
      %get3A_270 = arith.index_cast %scan3A_182 : i32 to index
      %get3A_271 = arith.constant 128 : index
      %get3A_272 = tpu.vector_load %arg4[%get3A_270, %get3A_271] {strides = array<i32>} : memref<128x256xf32, #tpu.memory_space<vmem>>, vector<1x16xf32>,
      %get3A_273 = vector.shape_cast %get3A_272 : vector<1x16xf32> to vector<16xf32>
      %add3A_274 = arith.addf %scan3A_191, %get3A_273 : vector<16xf32>
      %mul3A_275 = arith.mulf %get3A_273, %get3A_273 : vector<16xf32>
      %add3A_276 = arith.addf %scan3A_207, %mul3A_275 : vector<16xf32>
      %get3A_277 = arith.index_cast %scan3A_182 : i32 to index
      %get3A_278 = arith.constant 144 : index
      %get3A_279 = tpu.vector_load %arg4[%get3A_277, %get3A_278] {strides = array<i32>} : memref<128x256xf32, #tpu.memory_space<vmem>>, vector<1x16xf32>,
      %get3A_280 = vector.shape_cast %get3A_279 : vector<1x16xf32> to vector<16xf32>
      %add3A_281 = arith.addf %scan3A_192, %get3A_280 : vector<16xf32>
      %mul3A_282 = arith.mulf %get3A_280, %get3A_280 : vector<16xf32>
      %add3A_283 = arith.addf %scan3A_208, %mul3A_282 : vector<16xf32>
      %get3A_284 = arith.index_cast %scan3A_182 : i32 to index
      %get3A_285 = arith.constant 160 : index
      %get3A_286 = tpu.vector_load %arg4[%get3A_284, %get3A_285] {strides = array<i32>} : memref<128x256xf32, #tpu.memory_space<vmem>>, vector<1x16xf32>,
      %get3A_287 = vector.shape_cast %get3A_286 : vector<1x16xf32> to vector<16xf32>
      %add3A_288 = arith.addf %scan3A_193, %get3A_287 : vector<16xf32>
      %mul3A_289 = arith.mulf %get3A_287, %get3A_287 : vector<16xf32>
      %add3A_290 = arith.addf %scan3A_209, %mul3A_289 : vector<16xf32>
      %get3A_291 = arith.index_cast %scan3A_182 : i32 to index
      %get3A_292 = arith.constant 176 : index
      %get3A_293 = tpu.vector_load %arg4[%get3A_291, %get3A_292] {strides = array<i32>} : memref<128x256xf32, #tpu.memory_space<vmem>>, vector<1x16xf32>,
      %get3A_294 = vector.shape_cast %get3A_293 : vector<1x16xf32> to vector<16xf32>
      %add3A_295 = arith.addf %scan3A_194, %get3A_294 : vector<16xf32>
      %mul3A_296 = arith.mulf %get3A_294, %get3A_294 : vector<16xf32>
      %add3A_297 = arith.addf %scan3A_210, %mul3A_296 : vector<16xf32>
      %get3A_298 = arith.index_cast %scan3A_182 : i32 to index
      %get3A_299 = arith.constant 192 : index
      %get3A_300 = tpu.vector_load %arg4[%get3A_298, %get3A_299] {strides = array<i32>} : memref<128x256xf32, #tpu.memory_space<vmem>>, vector<1x16xf32>,
      %get3A_301 = vector.shape_cast %get3A_300 : vector<1x16xf32> to vector<16xf32>
      %add3A_302 = arith.addf %scan3A_195, %get3A_301 : vector<16xf32>
      %mul3A_303 = arith.mulf %get3A_301, %get3A_301 : vector<16xf32>
      %add3A_304 = arith.addf %scan3A_211, %mul3A_303 : vector<16xf32>
      %get3A_305 = arith.index_cast %scan3A_182 : i32 to index
      %get3A_306 = arith.constant 208 : index
      %get3A_307 = tpu.vector_load %arg4[%get3A_305, %get3A_306] {strides = array<i32>} : memref<128x256xf32, #tpu.memory_space<vmem>>, vector<1x16xf32>,
      %get3A_308 = vector.shape_cast %get3A_307 : vector<1x16xf32> to vector<16xf32>
      %add3A_309 = arith.addf %scan3A_196, %get3A_308 : vector<16xf32>
      %mul3A_310 = arith.mulf %get3A_308, %get3A_308 : vector<16xf32>
      %add3A_311 = arith.addf %scan3A_212, %mul3A_310 : vector<16xf32>
      %get3A_312 = arith.index_cast %scan3A_182 : i32 to index
      %get3A_313 = arith.constant 224 : index
      %get3A_314 = tpu.vector_load %arg4[%get3A_312, %get3A_313] {strides = array<i32>} : memref<128x256xf32, #tpu.memory_space<vmem>>, vector<1x16xf32>,
      %get3A_315 = vector.shape_cast %get3A_314 : vector<1x16xf32> to vector<16xf32>
      %add3A_316 = arith.addf %scan3A_197, %get3A_315 : vector<16xf32>
      %mul3A_317 = arith.mulf %get3A_315, %get3A_315 : vector<16xf32>
      %add3A_318 = arith.addf %scan3A_213, %mul3A_317 : vector<16xf32>
      %get3A_319 = arith.index_cast %scan3A_182 : i32 to index
      %get3A_320 = arith.constant 240 : index
      %get3A_321 = tpu.vector_load %arg4[%get3A_319, %get3A_320] {strides = array<i32>} : memref<128x256xf32, #tpu.memory_space<vmem>>, vector<1x16xf32>,
      %get3A_322 = vector.shape_cast %get3A_321 : vector<1x16xf32> to vector<16xf32>
      %add3A_323 = arith.addf %scan3A_198, %get3A_322 : vector<16xf32>
      %mul3A_324 = arith.mulf %get3A_322, %get3A_322 : vector<16xf32>
      %add3A_325 = arith.addf %scan3A_214, %mul3A_324 : vector<16xf32>
      scf.yield %add3A_218, %add3A_225, %add3A_232, %add3A_239, %add3A_246, %add3A_253, %add3A_260, %add3A_267, %add3A_274, %add3A_281, %add3A_288, %add3A_295, %add3A_302, %add3A_309, %add3A_316, %add3A_323, %add3A_220, %add3A_227, %add3A_234, %add3A_241, %add3A_248, %add3A_255, %add3A_262, %add3A_269, %add3A_276, %add3A_283, %add3A_290, %add3A_297, %add3A_304, %add3A_311, %add3A_318, %add3A_325 : vector<16xf32>, vector<16xf32>, vector<16xf32>, vector<16xf32>, vector<16xf32>, vector<16xf32>, vector<16xf32>, vector<16xf32>, vector<16xf32>, vector<16xf32>, vector<16xf32>, vector<16xf32>, vector<16xf32>, vector<16xf32>, vector<16xf32>, vector<16xf32>, vector<16xf32>, vector<16xf32>, vector<16xf32>, vector<16xf32>, vector<16xf32>, vector<16xf32>, vector<16xf32>, vector<16xf32>, vector<16xf32>, vector<16xf32>, vector<16xf32>, vector<16xf32>, vector<16xf32>, vector<16xf32>, vector<16xf32>, vector<16xf32>
    }
    %scan3A_54 = arith.constant 64 : i32
    %swap3A = arith.constant 0 : index
    %swap3A_55 = tpu.vector_load %arg5[%swap3A] {strides = array<i32>} : memref<512xf32, #tpu.memory_space<vmem>>, vector<16xf32>,
    %swap3A_56 = vector.shape_cast %swap3A_55 : vector<16xf32> to vector<16xf32>
    %swap3A_57 = vector.shape_cast %scan3A_53#0 : vector<16xf32> to vector<16xf32>
    tpu.vector_store %arg5[%swap3A], %swap3A_57 {strides = array<i32>} : memref<512xf32, #tpu.memory_space<vmem>>, vector<16xf32>,
    %swap3A_58 = arith.constant 256 : index
    %swap3A_59 = tpu.vector_load %arg5[%swap3A_58] {strides = array<i32>} : memref<512xf32, #tpu.memory_space<vmem>>, vector<16xf32>,
    %swap3A_60 = vector.shape_cast %swap3A_59 : vector<16xf32> to vector<16xf32>
    %swap3A_61 = vector.shape_cast %scan3A_53#16 : vector<16xf32> to vector<16xf32>
    tpu.vector_store %arg5[%swap3A_58], %swap3A_61 {strides = array<i32>} : memref<512xf32, #tpu.memory_space<vmem>>, vector<16xf32>,
    %swap3A_62 = arith.constant 16 : index
    %swap3A_63 = tpu.vector_load %arg5[%swap3A_62] {strides = array<i32>} : memref<512xf32, #tpu.memory_space<vmem>>, vector<16xf32>,
    %swap3A_64 = vector.shape_cast %swap3A_63 : vector<16xf32> to vector<16xf32>
    %swap3A_65 = vector.shape_cast %scan3A_53#1 : vector<16xf32> to vector<16xf32>
    tpu.vector_store %arg5[%swap3A_62], %swap3A_65 {strides = array<i32>} : memref<512xf32, #tpu.memory_space<vmem>>, vector<16xf32>,
    %swap3A_66 = arith.constant 272 : index
    %swap3A_67 = tpu.vector_load %arg5[%swap3A_66] {strides = array<i32>} : memref<512xf32, #tpu.memory_space<vmem>>, vector<16xf32>,
    %swap3A_68 = vector.shape_cast %swap3A_67 : vector<16xf32> to vector<16xf32>
    %swap3A_69 = vector.shape_cast %scan3A_53#17 : vector<16xf32> to vector<16xf32>
    tpu.vector_store %arg5[%swap3A_66], %swap3A_69 {strides = array<i32>} : memref<512xf32, #tpu.memory_space<vmem>>, vector<16xf32>,
    %swap3A_70 = arith.constant 32 : index
    %swap3A_71 = tpu.vector_load %arg5[%swap3A_70] {strides = array<i32>} : memref<512xf32, #tpu.memory_space<vmem>>, vector<16xf32>,
    %swap3A_72 = vector.shape_cast %swap3A_71 : vector<16xf32> to vector<16xf32>
    %swap3A_73 = vector.shape_cast %scan3A_53#2 : vector<16xf32> to vector<16xf32>
    tpu.vector_store %arg5[%swap3A_70], %swap3A_73 {strides = array<i32>} : memref<512xf32, #tpu.memory_space<vmem>>, vector<16xf32>,
    %swap3A_74 = arith.constant 288 : index
    %swap3A_75 = tpu.vector_load %arg5[%swap3A_74] {strides = array<i32>} : memref<512xf32, #tpu.memory_space<vmem>>, vector<16xf32>,
    %swap3A_76 = vector.shape_cast %swap3A_75 : vector<16xf32> to vector<16xf32>
    %swap3A_77 = vector.shape_cast %scan3A_53#18 : vector<16xf32> to vector<16xf32>
    tpu.vector_store %arg5[%swap3A_74], %swap3A_77 {strides = array<i32>} : memref<512xf32, #tpu.memory_space<vmem>>, vector<16xf32>,
    %swap3A_78 = arith.constant 48 : index
    %swap3A_79 = tpu.vector_load %arg5[%swap3A_78] {strides = array<i32>} : memref<512xf32, #tpu.memory_space<vmem>>, vector<16xf32>,
    %swap3A_80 = vector.shape_cast %swap3A_79 : vector<16xf32> to vector<16xf32>
    %swap3A_81 = vector.shape_cast %scan3A_53#3 : vector<16xf32> to vector<16xf32>
    tpu.vector_store %arg5[%swap3A_78], %swap3A_81 {strides = array<i32>} : memref<512xf32, #tpu.memory_space<vmem>>, vector<16xf32>,
    %swap3A_82 = arith.constant 304 : index
    %swap3A_83 = tpu.vector_load %arg5[%swap3A_82] {strides = array<i32>} : memref<512xf32, #tpu.memory_space<vmem>>, vector<16xf32>,
    %swap3A_84 = vector.shape_cast %swap3A_83 : vector<16xf32> to vector<16xf32>
    %swap3A_85 = vector.shape_cast %scan3A_53#19 : vector<16xf32> to vector<16xf32>
    tpu.vector_store %arg5[%swap3A_82], %swap3A_85 {strides = array<i32>} : memref<512xf32, #tpu.memory_space<vmem>>, vector<16xf32>,
    %swap3A_86 = arith.constant 64 : index
    %swap3A_87 = tpu.vector_load %arg5[%swap3A_86] {strides = array<i32>} : memref<512xf32, #tpu.memory_space<vmem>>, vector<16xf32>,
    %swap3A_88 = vector.shape_cast %swap3A_87 : vector<16xf32> to vector<16xf32>
    %swap3A_89 = vector.shape_cast %scan3A_53#4 : vector<16xf32> to vector<16xf32>
    tpu.vector_store %arg5[%swap3A_86], %swap3A_89 {strides = array<i32>} : memref<512xf32, #tpu.memory_space<vmem>>, vector<16xf32>,
    %swap3A_90 = arith.constant 320 : index
    %swap3A_91 = tpu.vector_load %arg5[%swap3A_90] {strides = array<i32>} : memref<512xf32, #tpu.memory_space<vmem>>, vector<16xf32>,
    %swap3A_92 = vector.shape_cast %swap3A_91 : vector<16xf32> to vector<16xf32>
    %swap3A_93 = vector.shape_cast %scan3A_53#20 : vector<16xf32> to vector<16xf32>
    tpu.vector_store %arg5[%swap3A_90], %swap3A_93 {strides = array<i32>} : memref<512xf32, #tpu.memory_space<vmem>>, vector<16xf32>,
    %swap3A_94 = arith.constant 80 : index
    %swap3A_95 = tpu.vector_load %arg5[%swap3A_94] {strides = array<i32>} : memref<512xf32, #tpu.memory_space<vmem>>, vector<16xf32>,
    %swap3A_96 = vector.shape_cast %swap3A_95 : vector<16xf32> to vector<16xf32>
    %swap3A_97 = vector.shape_cast %scan3A_53#5 : vector<16xf32> to vector<16xf32>
    tpu.vector_store %arg5[%swap3A_94], %swap3A_97 {strides = array<i32>} : memref<512xf32, #tpu.memory_space<vmem>>, vector<16xf32>,
    %swap3A_98 = arith.constant 336 : index
    %swap3A_99 = tpu.vector_load %arg5[%swap3A_98] {strides = array<i32>} : memref<512xf32, #tpu.memory_space<vmem>>, vector<16xf32>,
    %swap3A_100 = vector.shape_cast %swap3A_99 : vector<16xf32> to vector<16xf32>
    %swap3A_101 = vector.shape_cast %scan3A_53#21 : vector<16xf32> to vector<16xf32>
    tpu.vector_store %arg5[%swap3A_98], %swap3A_101 {strides = array<i32>} : memref<512xf32, #tpu.memory_space<vmem>>, vector<16xf32>,
    %swap3A_102 = arith.constant 96 : index
    %swap3A_103 = tpu.vector_load %arg5[%swap3A_102] {strides = array<i32>} : memref<512xf32, #tpu.memory_space<vmem>>, vector<16xf32>,
    %swap3A_104 = vector.shape_cast %swap3A_103 : vector<16xf32> to vector<16xf32>
    %swap3A_105 = vector.shape_cast %scan3A_53#6 : vector<16xf32> to vector<16xf32>
    tpu.vector_store %arg5[%swap3A_102], %swap3A_105 {strides = array<i32>} : memref<512xf32, #tpu.memory_space<vmem>>, vector<16xf32>,
    %swap3A_106 = arith.constant 352 : index
    %swap3A_107 = tpu.vector_load %arg5[%swap3A_106] {strides = array<i32>} : memref<512xf32, #tpu.memory_space<vmem>>, vector<16xf32>,
    %swap3A_108 = vector.shape_cast %swap3A_107 : vector<16xf32> to vector<16xf32>
    %swap3A_109 = vector.shape_cast %scan3A_53#22 : vector<16xf32> to vector<16xf32>
    tpu.vector_store %arg5[%swap3A_106], %swap3A_109 {strides = array<i32>} : memref<512xf32, #tpu.memory_space<vmem>>, vector<16xf32>,
    %swap3A_110 = arith.constant 112 : index
    %swap3A_111 = tpu.vector_load %arg5[%swap3A_110] {strides = array<i32>} : memref<512xf32, #tpu.memory_space<vmem>>, vector<16xf32>,
    %swap3A_112 = vector.shape_cast %swap3A_111 : vector<16xf32> to vector<16xf32>
    %swap3A_113 = vector.shape_cast %scan3A_53#7 : vector<16xf32> to vector<16xf32>
    tpu.vector_store %arg5[%swap3A_110], %swap3A_113 {strides = array<i32>} : memref<512xf32, #tpu.memory_space<vmem>>, vector<16xf32>,
    %swap3A_114 = arith.constant 368 : index
    %swap3A_115 = tpu.vector_load %arg5[%swap3A_114] {strides = array<i32>} : memref<512xf32, #tpu.memory_space<vmem>>, vector<16xf32>,
    %swap3A_116 = vector.shape_cast %swap3A_115 : vector<16xf32> to vector<16xf32>
    %swap3A_117 = vector.shape_cast %scan3A_53#23 : vector<16xf32> to vector<16xf32>
    tpu.vector_store %arg5[%swap3A_114], %swap3A_117 {strides = array<i32>} : memref<512xf32, #tpu.memory_space<vmem>>, vector<16xf32>,
    %swap3A_118 = arith.constant 128 : index
    %swap3A_119 = tpu.vector_load %arg5[%swap3A_118] {strides = array<i32>} : memref<512xf32, #tpu.memory_space<vmem>>, vector<16xf32>,
    %swap3A_120 = vector.shape_cast %swap3A_119 : vector<16xf32> to vector<16xf32>
    %swap3A_121 = vector.shape_cast %scan3A_53#8 : vector<16xf32> to vector<16xf32>
    tpu.vector_store %arg5[%swap3A_118], %swap3A_121 {strides = array<i32>} : memref<512xf32, #tpu.memory_space<vmem>>, vector<16xf32>,
    %swap3A_122 = arith.constant 384 : index
    %swap3A_123 = tpu.vector_load %arg5[%swap3A_122] {strides = array<i32>} : memref<512xf32, #tpu.memory_space<vmem>>, vector<16xf32>,
    %swap3A_124 = vector.shape_cast %swap3A_123 : vector<16xf32> to vector<16xf32>
    %swap3A_125 = vector.shape_cast %scan3A_53#24 : vector<16xf32> to vector<16xf32>
    tpu.vector_store %arg5[%swap3A_122], %swap3A_125 {strides = array<i32>} : memref<512xf32, #tpu.memory_space<vmem>>, vector<16xf32>,
    %swap3A_126 = arith.constant 144 : index
    %swap3A_127 = tpu.vector_load %arg5[%swap3A_126] {strides = array<i32>} : memref<512xf32, #tpu.memory_space<vmem>>, vector<16xf32>,
    %swap3A_128 = vector.shape_cast %swap3A_127 : vector<16xf32> to vector<16xf32>
    %swap3A_129 = vector.shape_cast %scan3A_53#9 : vector<16xf32> to vector<16xf32>
    tpu.vector_store %arg5[%swap3A_126], %swap3A_129 {strides = array<i32>} : memref<512xf32, #tpu.memory_space<vmem>>, vector<16xf32>,
    %swap3A_130 = arith.constant 400 : index
    %swap3A_131 = tpu.vector_load %arg5[%swap3A_130] {strides = array<i32>} : memref<512xf32, #tpu.memory_space<vmem>>, vector<16xf32>,
    %swap3A_132 = vector.shape_cast %swap3A_131 : vector<16xf32> to vector<16xf32>
    %swap3A_133 = vector.shape_cast %scan3A_53#25 : vector<16xf32> to vector<16xf32>
    tpu.vector_store %arg5[%swap3A_130], %swap3A_133 {strides = array<i32>} : memref<512xf32, #tpu.memory_space<vmem>>, vector<16xf32>,
    %swap3A_134 = arith.constant 160 : index
    %swap3A_135 = tpu.vector_load %arg5[%swap3A_134] {strides = array<i32>} : memref<512xf32, #tpu.memory_space<vmem>>, vector<16xf32>,
    %swap3A_136 = vector.shape_cast %swap3A_135 : vector<16xf32> to vector<16xf32>
    %swap3A_137 = vector.shape_cast %scan3A_53#10 : vector<16xf32> to vector<16xf32>
    tpu.vector_store %arg5[%swap3A_134], %swap3A_137 {strides = array<i32>} : memref<512xf32, #tpu.memory_space<vmem>>, vector<16xf32>,
    %swap3A_138 = arith.constant 416 : index
    %swap3A_139 = tpu.vector_load %arg5[%swap3A_138] {strides = array<i32>} : memref<512xf32, #tpu.memory_space<vmem>>, vector<16xf32>,
    %swap3A_140 = vector.shape_cast %swap3A_139 : vector<16xf32> to vector<16xf32>
    %swap3A_141 = vector.shape_cast %scan3A_53#26 : vector<16xf32> to vector<16xf32>
    tpu.vector_store %arg5[%swap3A_138], %swap3A_141 {strides = array<i32>} : memref<512xf32, #tpu.memory_space<vmem>>, vector<16xf32>,
    %swap3A_142 = arith.constant 176 : index
    %swap3A_143 = tpu.vector_load %arg5[%swap3A_142] {strides = array<i32>} : memref<512xf32, #tpu.memory_space<vmem>>, vector<16xf32>,
    %swap3A_144 = vector.shape_cast %swap3A_143 : vector<16xf32> to vector<16xf32>
    %swap3A_145 = vector.shape_cast %scan3A_53#11 : vector<16xf32> to vector<16xf32>
    tpu.vector_store %arg5[%swap3A_142], %swap3A_145 {strides = array<i32>} : memref<512xf32, #tpu.memory_space<vmem>>, vector<16xf32>,
    %swap3A_146 = arith.constant 432 : index
    %swap3A_147 = tpu.vector_load %arg5[%swap3A_146] {strides = array<i32>} : memref<512xf32, #tpu.memory_space<vmem>>, vector<16xf32>,
    %swap3A_148 = vector.shape_cast %swap3A_147 : vector<16xf32> to vector<16xf32>
    %swap3A_149 = vector.shape_cast %scan3A_53#27 : vector<16xf32> to vector<16xf32>
    tpu.vector_store %arg5[%swap3A_146], %swap3A_149 {strides = array<i32>} : memref<512xf32, #tpu.memory_space<vmem>>, vector<16xf32>,
    %swap3A_150 = arith.constant 192 : index
    %swap3A_151 = tpu.vector_load %arg5[%swap3A_150] {strides = array<i32>} : memref<512xf32, #tpu.memory_space<vmem>>, vector<16xf32>,
    %swap3A_152 = vector.shape_cast %swap3A_151 : vector<16xf32> to vector<16xf32>
    %swap3A_153 = vector.shape_cast %scan3A_53#12 : vector<16xf32> to vector<16xf32>
    tpu.vector_store %arg5[%swap3A_150], %swap3A_153 {strides = array<i32>} : memref<512xf32, #tpu.memory_space<vmem>>, vector<16xf32>,
    %swap3A_154 = arith.constant 448 : index
    %swap3A_155 = tpu.vector_load %arg5[%swap3A_154] {strides = array<i32>} : memref<512xf32, #tpu.memory_space<vmem>>, vector<16xf32>,
    %swap3A_156 = vector.shape_cast %swap3A_155 : vector<16xf32> to vector<16xf32>
    %swap3A_157 = vector.shape_cast %scan3A_53#28 : vector<16xf32> to vector<16xf32>
    tpu.vector_store %arg5[%swap3A_154], %swap3A_157 {strides = array<i32>} : memref<512xf32, #tpu.memory_space<vmem>>, vector<16xf32>,
    %swap3A_158 = arith.constant 208 : index
    %swap3A_159 = tpu.vector_load %arg5[%swap3A_158] {strides = array<i32>} : memref<512xf32, #tpu.memory_space<vmem>>, vector<16xf32>,
    %swap3A_160 = vector.shape_cast %swap3A_159 : vector<16xf32> to vector<16xf32>
    %swap3A_161 = vector.shape_cast %scan3A_53#13 : vector<16xf32> to vector<16xf32>
    tpu.vector_store %arg5[%swap3A_158], %swap3A_161 {strides = array<i32>} : memref<512xf32, #tpu.memory_space<vmem>>, vector<16xf32>,
    %swap3A_162 = arith.constant 464 : index
    %swap3A_163 = tpu.vector_load %arg5[%swap3A_162] {strides = array<i32>} : memref<512xf32, #tpu.memory_space<vmem>>, vector<16xf32>,
    %swap3A_164 = vector.shape_cast %swap3A_163 : vector<16xf32> to vector<16xf32>
    %swap3A_165 = vector.shape_cast %scan3A_53#29 : vector<16xf32> to vector<16xf32>
    tpu.vector_store %arg5[%swap3A_162], %swap3A_165 {strides = array<i32>} : memref<512xf32, #tpu.memory_space<vmem>>, vector<16xf32>,
    %swap3A_166 = arith.constant 224 : index
    %swap3A_167 = tpu.vector_load %arg5[%swap3A_166] {strides = array<i32>} : memref<512xf32, #tpu.memory_space<vmem>>, vector<16xf32>,
    %swap3A_168 = vector.shape_cast %swap3A_167 : vector<16xf32> to vector<16xf32>
    %swap3A_169 = vector.shape_cast %scan3A_53#14 : vector<16xf32> to vector<16xf32>
    tpu.vector_store %arg5[%swap3A_166], %swap3A_169 {strides = array<i32>} : memref<512xf32, #tpu.memory_space<vmem>>, vector<16xf32>,
    %swap3A_170 = arith.constant 480 : index
    %swap3A_171 = tpu.vector_load %arg5[%swap3A_170] {strides = array<i32>} : memref<512xf32, #tpu.memory_space<vmem>>, vector<16xf32>,
    %swap3A_172 = vector.shape_cast %swap3A_171 : vector<16xf32> to vector<16xf32>
    %swap3A_173 = vector.shape_cast %scan3A_53#30 : vector<16xf32> to vector<16xf32>
    tpu.vector_store %arg5[%swap3A_170], %swap3A_173 {strides = array<i32>} : memref<512xf32, #tpu.memory_space<vmem>>, vector<16xf32>,
    %swap3A_174 = arith.constant 240 : index
    %swap3A_175 = tpu.vector_load %arg5[%swap3A_174] {strides = array<i32>} : memref<512xf32, #tpu.memory_space<vmem>>, vector<16xf32>,
    %swap3A_176 = vector.shape_cast %swap3A_175 : vector<16xf32> to vector<16xf32>
    %swap3A_177 = vector.shape_cast %scan3A_53#15 : vector<16xf32> to vector<16xf32>
    tpu.vector_store %arg5[%swap3A_174], %swap3A_177 {strides = array<i32>} : memref<512xf32, #tpu.memory_space<vmem>>, vector<16xf32>,
    %swap3A_178 = arith.constant 496 : index
    %swap3A_179 = tpu.vector_load %arg5[%swap3A_178] {strides = array<i32>} : memref<512xf32, #tpu.memory_space<vmem>>, vector<16xf32>,
    %swap3A_180 = vector.shape_cast %swap3A_179 : vector<16xf32> to vector<16xf32>
    %swap3A_181 = vector.shape_cast %scan3A_53#31 : vector<16xf32> to vector<16xf32>
    tpu.vector_store %arg5[%swap3A_178], %swap3A_181 {strides = array<i32>} : memref<512xf32, #tpu.memory_space<vmem>>, vector<16xf32>,
    "tpu.region"() ({
      %run_scoped3A = tpu.sem_alloc : memref<!tpu.dma_semaphore, #tpu.memory_space<semaphore_mem>>
      %dma_start3A_182 = arith.constant 0 : i32
      %dma_start3A_183 = tpu.memref_slice %arg3[%add3A, %dma_start3A_182] : memref<32x512xf32, #tpu.memory_space<hbm>> -> memref<1x512xf32, #tpu.memory_space<hbm>>
      %dma_start3A_184 = tpu.memref_squeeze %dma_start3A_183 : memref<1x512xf32, #tpu.memory_space<hbm>> -> memref<512xf32, #tpu.memory_space<hbm>>
      %dma_start3A_185 = arith.constant 0 : i32
      %dma_start3A_186 = tpu.memref_slice %arg3[%add3A, %dma_start3A_185] : memref<32x512xf32, #tpu.memory_space<hbm>> -> memref<1x512xf32, #tpu.memory_space<hbm>>
      %dma_start3A_187 = tpu.memref_squeeze %dma_start3A_186 : memref<1x512xf32, #tpu.memory_space<hbm>> -> memref<512xf32, #tpu.memory_space<hbm>>
      tpu.enqueue_dma source(%arg5 : memref<512xf32, #tpu.memory_space<vmem>>) target(%dma_start3A_187 : memref<512xf32, #tpu.memory_space<hbm>>) target_semaphore(%run_scoped3A : memref<!tpu.dma_semaphore, #tpu.memory_space<semaphore_mem>>)
      %dma_wait3A_188 = arith.constant 0 : i32
      %dma_wait3A_189 = tpu.memref_slice %arg3[%add3A, %dma_wait3A_188] : memref<32x512xf32, #tpu.memory_space<hbm>> -> memref<1x512xf32, #tpu.memory_space<hbm>>
      %dma_wait3A_190 = tpu.memref_squeeze %dma_wait3A_189 : memref<1x512xf32, #tpu.memory_space<hbm>> -> memref<512xf32, #tpu.memory_space<hbm>>
      %dma_wait3A_191 = arith.constant 0 : i32
      %dma_wait3A_192 = tpu.memref_slice %arg3[%add3A, %dma_wait3A_191] : memref<32x512xf32, #tpu.memory_space<hbm>> -> memref<1x512xf32, #tpu.memory_space<hbm>>
      %dma_wait3A_193 = tpu.memref_squeeze %dma_wait3A_192 : memref<1x512xf32, #tpu.memory_space<hbm>> -> memref<512xf32, #tpu.memory_space<hbm>>
      tpu.wait_dma2 semaphore(%run_scoped3A : memref<!tpu.dma_semaphore, #tpu.memory_space<semaphore_mem>>) src(%arg5 : memref<512xf32, #tpu.memory_space<vmem>>) dst(%dma_wait3A_193 : memref<512xf32, #tpu.memory_space<hbm>>)
      tpu.yield
    }) : () -> ()
    return
  }
}

module attributes {stable_mosaic.version = 14 : i64} {
  func.func @_tc_body(%arg0: i32, %arg1: memref<32x512xf32, #tpu.memory_space<vmem>>, %arg2: memref<8x256xf32, #tpu.memory_space<vmem>>, %arg3: memref<8x256xf32, #tpu.memory_space<vmem>>, %arg4: memref<8x256xf32, #tpu.memory_space<vmem>>, %arg5: memref<8x256xf32, #tpu.memory_space<vmem>>, %arg6: memref<8x256xf32, #tpu.memory_space<vmem>>, %arg7: memref<8x256xf32, #tpu.memory_space<vmem>>, %arg8: memref<8x256xf32, #tpu.memory_space<vmem>>, %arg9: memref<8x256xf32, #tpu.memory_space<vmem>>, %arg10: memref<8x256xf32, #tpu.memory_space<vmem>>, %arg11: memref<8x256xf32, #tpu.memory_space<vmem>>, %arg12: memref<1x1xf32, #tpu.memory_space<smem>>, %arg13: memref<1x1xf32, #tpu.memory_space<smem>>, %arg14: memref<1x1xf32, #tpu.memory_space<smem>>) attributes {dimension_semantics = [#tpu.dimension_semantics<arbitrary>], iteration_bounds = array<i64: 1>, scalar_prefetch = 0 : i64, scratch_operands = 0 : i64, tpu.core_type = #tpu.core_type<tc>, window_params = [{pipeline_mode = #tpu.pipeline_mode<synchronous>, transform_indices = @transform_0, window_bounds = array<i64: 32, 512>}, {transform_indices = @transform_1, window_bounds = array<i64: 8, 256>}, {transform_indices = @transform_2, window_bounds = array<i64: 8, 256>}, {transform_indices = @transform_3, window_bounds = array<i64: 8, 256>}, {transform_indices = @transform_4, window_bounds = array<i64: 8, 256>}, {transform_indices = @transform_5, window_bounds = array<i64: 8, 256>}, {transform_indices = @transform_6, window_bounds = array<i64: 8, 256>}, {transform_indices = @transform_7, window_bounds = array<i64: 8, 256>}, {transform_indices = @transform_8, window_bounds = array<i64: 8, 256>}, {transform_indices = @transform_9, window_bounds = array<i64: 8, 256>}, {transform_indices = @transform_10, window_bounds = array<i64: 8, 256>}, {transform_indices = @transform_11, window_bounds = array<i64: 1, 1>}, {transform_indices = @transform_12, window_bounds = array<i64: 1, 1>}, {transform_indices = @transform_13, window_bounds = array<i64: 1, 1>}]} {
    %get3A = arith.constant 0 : index
    %get3A_0 = arith.constant 0 : index
    %get3A_1 = vector.load %arg1[%get3A, %get3A_0] : memref<32x512xf32, #tpu.memory_space<vmem>>, vector<32x512xf32>
    %slice3A = vector.extract_strided_slice %get3A_1 {offsets = [0, 0], sizes = [32, 256], strides = [1, 1]} : vector<32x512xf32> to vector<32x256xf32>
    %reduce_sum3A = arith.constant dense<0.000000e+00> : vector<256xf32>
    %reduce_sum3A_2 = vector.multi_reduction <add>, %slice3A, %reduce_sum3A [0] : vector<32x256xf32> to vector<256xf32>
    %broadcast_in_dim3A = vector.shape_cast %reduce_sum3A_2 : vector<256xf32> to vector<1x256xf32>
    %slice3A_3 = vector.extract_strided_slice %get3A_1 {offsets = [0, 256], sizes = [32, 256], strides = [1, 1]} : vector<32x512xf32> to vector<32x256xf32>
    %reduce_sum3A_4 = arith.constant dense<0.000000e+00> : vector<256xf32>
    %reduce_sum3A_5 = vector.multi_reduction <add>, %slice3A_3, %reduce_sum3A_4 [0] : vector<32x256xf32> to vector<256xf32>
    %broadcast_in_dim3A_6 = vector.shape_cast %reduce_sum3A_5 : vector<256xf32> to vector<1x256xf32>
    %mul3A = arith.mulf %broadcast_in_dim3A, %broadcast_in_dim3A : vector<1x256xf32>
    %div3A = arith.constant 1.000000e+00 : f32
    %div3A_7 = arith.constant 4.096000e+03 : f32
    %div3A_8 = arith.divf %div3A, %div3A_7 : f32
    %mul3A_9 = vector.broadcast %div3A_8 : f32 to vector<1x256xf32>
    %mul3A_10 = arith.mulf %mul3A, %mul3A_9 : vector<1x256xf32>
    %sub3A = arith.subf %broadcast_in_dim3A_6, %mul3A_10 : vector<1x256xf32>
    %sub3A_11 = arith.constant 4.096000e+03 : f32
    %sub3A_12 = arith.constant 1.000000e+00 : f32
    %sub3A_13 = arith.subf %sub3A_11, %sub3A_12 : f32
    %div3A_14 = vector.broadcast %sub3A_13 : f32 to vector<1x256xf32>
    %div3A_15 = arith.divf %sub3A, %div3A_14 : vector<1x256xf32>
    %reduce_sum3A_16 = vector.shape_cast %div3A_15 : vector<1x256xf32> to vector<1x1x256xf32>
    %reduce_sum3A_17 = arith.constant dense<0.000000e+00> : vector<1xf32>
    %reduce_sum3A_18 = vector.multi_reduction <add>, %reduce_sum3A_16, %reduce_sum3A_17 [1, 2] : vector<1x1x256xf32> to vector<1xf32>
    %reduce_sum3A_19 = vector.shape_cast %reduce_sum3A_18 : vector<1xf32> to vector<1x1x1xf32>
    %reduce_sum3A_20 = vector.extract %reduce_sum3A_19[0, 0, 0] : f32 from vector<1x1x1xf32>
    %div3A_21 = vector.broadcast %reduce_sum3A_20 : f32 to vector<1x256xf32>
    %div3A_22 = arith.divf %div3A_15, %div3A_21 : vector<1x256xf32>
    %mul3A_23 = arith.mulf %div3A_22, %div3A_22 : vector<1x256xf32>
    %reduce_sum3A_24 = vector.shape_cast %mul3A_23 : vector<1x256xf32> to vector<1x1x256xf32>
    %reduce_sum3A_25 = arith.constant dense<0.000000e+00> : vector<1xf32>
    %reduce_sum3A_26 = vector.multi_reduction <add>, %reduce_sum3A_24, %reduce_sum3A_25 [1, 2] : vector<1x1x256xf32> to vector<1xf32>
    %reduce_sum3A_27 = vector.shape_cast %reduce_sum3A_26 : vector<1xf32> to vector<1x1x1xf32>
    %reduce_sum3A_28 = vector.extract %reduce_sum3A_27[0, 0, 0] : f32 from vector<1x1x1xf32>
    %add3A = arith.constant 9.99999997E-7 : f32
    %add3A_29 = arith.addf %reduce_sum3A_28, %add3A : f32
    %div3A_30 = arith.constant 1.000000e+00 : f32
    %div3A_31 = arith.divf %div3A_30, %add3A_29 : f32
    %get3A_32 = arith.constant 3 : index
    %get3A_33 = arith.constant 0 : index
    %get3A_34 = vector.load %arg2[%get3A_32, %get3A_33] : memref<8x256xf32, #tpu.memory_space<vmem>>, vector<1x256xf32>
    %get3A_35 = arith.constant 1 : index
    %get3A_36 = arith.constant 0 : index
    %get3A_37 = vector.load %arg3[%get3A_35, %get3A_36] : memref<8x256xf32, #tpu.memory_space<vmem>>, vector<1x256xf32>
    %get3A_38 = arith.constant 1 : index
    %get3A_39 = arith.constant 0 : index
    %get3A_40 = vector.load %arg4[%get3A_38, %get3A_39] : memref<8x256xf32, #tpu.memory_space<vmem>>, vector<1x256xf32>
    %get3A_41 = arith.constant 2 : index
    %get3A_42 = arith.constant 0 : index
    %get3A_43 = vector.load %arg5[%get3A_41, %get3A_42] : memref<8x256xf32, #tpu.memory_space<vmem>>, vector<1x256xf32>
    %get3A_44 = arith.constant 6 : index
    %get3A_45 = arith.constant 0 : index
    %get3A_46 = vector.load %arg6[%get3A_44, %get3A_45] : memref<8x256xf32, #tpu.memory_space<vmem>>, vector<1x256xf32>
    %get3A_47 = arith.constant 0 : index
    %get3A_48 = arith.constant 0 : index
    %get3A_49 = vector.load %arg7[%get3A_47, %get3A_48] : memref<8x256xf32, #tpu.memory_space<vmem>>, vector<1x256xf32>
    %get3A_50 = arith.constant 1 : index
    %get3A_51 = arith.constant 0 : index
    %get3A_52 = vector.load %arg8[%get3A_50, %get3A_51] : memref<8x256xf32, #tpu.memory_space<vmem>>, vector<1x256xf32>
    %get3A_53 = arith.constant 0 : index
    %get3A_54 = arith.constant 0 : index
    %get3A_55 = vector.load %arg9[%get3A_53, %get3A_54] : memref<8x256xf32, #tpu.memory_space<vmem>>, vector<1x256xf32>
    %get3A_56 = arith.constant 2 : index
    %get3A_57 = arith.constant 0 : index
    %get3A_58 = vector.load %arg10[%get3A_56, %get3A_57] : memref<8x256xf32, #tpu.memory_space<vmem>>, vector<1x256xf32>
    %get3A_59 = arith.constant 1 : index
    %get3A_60 = arith.constant 0 : index
    %get3A_61 = vector.load %arg11[%get3A_59, %get3A_60] : memref<8x256xf32, #tpu.memory_space<vmem>>, vector<1x256xf32>
    %concatenate3A = tpu.concatenate %get3A_34, %get3A_37, %get3A_40, %get3A_43, %get3A_46, %get3A_49, %get3A_52, %get3A_55, %get3A_58, %get3A_61 in 0 : vector<1x256xf32>, vector<1x256xf32>, vector<1x256xf32>, vector<1x256xf32>, vector<1x256xf32>, vector<1x256xf32>, vector<1x256xf32>, vector<1x256xf32>, vector<1x256xf32>, vector<1x256xf32> -> vector<10x256xf32>
    %slice3A_62 = vector.extract_strided_slice %concatenate3A {offsets = [0, 0], sizes = [1, 256], strides = [1, 1]} : vector<10x256xf32> to vector<1x256xf32>
    %sub3A_63 = vector.broadcast %slice3A_62 : vector<1x256xf32> to vector<10x256xf32>
    %sub3A_64 = arith.subf %concatenate3A, %sub3A_63 : vector<10x256xf32>
    %mul3A_65 = arith.mulf %sub3A_64, %sub3A_64 : vector<10x256xf32>
    %reduce_sum3A_66 = arith.constant dense<0.000000e+00> : vector<10xf32>
    %reduce_sum3A_67 = vector.multi_reduction <add>, %mul3A_65, %reduce_sum3A_66 [1] : vector<10x256xf32> to vector<10xf32>
    %broadcast_in_dim3A_68 = vector.shape_cast %reduce_sum3A_67 : vector<10xf32> to vector<10x1xf32>
    %gt3A = arith.constant 9.99999996E-13 : f32
    %gt3A_69 = vector.broadcast %gt3A : f32 to vector<10x1xf32>
    %gt3A_70 = arith.cmpf ogt, %broadcast_in_dim3A_68, %gt3A_69 : vector<10x1xf32>
    %max3A = arith.constant 9.99999996E-13 : f32
    %max3A_71 = vector.broadcast %max3A : f32 to vector<10x1xf32>
    %max3A_72 = arith.maximumf %broadcast_in_dim3A_68, %max3A_71 : vector<10x1xf32>
    %sqrt3A = math.sqrt %max3A_72 : vector<10x1xf32>
    %jit3A = arith.constant 0.000000e+00 : f32
    %broadcast_in_dim3A_73 = vector.broadcast %jit3A : f32 to vector<10x1xf32>
    %select_n3A = arith.select %gt3A_70, %sqrt3A, %broadcast_in_dim3A_73 : vector<10x1xi1>, vector<10x1xf32>
    %reduce_sum3A_74 = vector.shape_cast %select_n3A : vector<10x1xf32> to vector<1x10x1xf32>
    %reduce_sum3A_75 = arith.constant dense<0.000000e+00> : vector<1xf32>
    %reduce_sum3A_76 = vector.multi_reduction <add>, %reduce_sum3A_74, %reduce_sum3A_75 [1, 2] : vector<1x10x1xf32> to vector<1xf32>
    %reduce_sum3A_77 = vector.shape_cast %reduce_sum3A_76 : vector<1xf32> to vector<1x1x1xf32>
    %reduce_sum3A_78 = vector.extract %reduce_sum3A_77[0, 0, 0] : f32 from vector<1x1x1xf32>
    %add3A_79 = arith.constant 0.000000e+00 : f32
    %add3A_80 = arith.addf %add3A_79, %reduce_sum3A_78 : f32
    %slice3A_81 = vector.extract_strided_slice %concatenate3A {offsets = [1, 0], sizes = [1, 256], strides = [1, 1]} : vector<10x256xf32> to vector<1x256xf32>
    %sub3A_82 = vector.broadcast %slice3A_81 : vector<1x256xf32> to vector<10x256xf32>
    %sub3A_83 = arith.subf %concatenate3A, %sub3A_82 : vector<10x256xf32>
    %mul3A_84 = arith.mulf %sub3A_83, %sub3A_83 : vector<10x256xf32>
    %reduce_sum3A_85 = arith.constant dense<0.000000e+00> : vector<10xf32>
    %reduce_sum3A_86 = vector.multi_reduction <add>, %mul3A_84, %reduce_sum3A_85 [1] : vector<10x256xf32> to vector<10xf32>
    %broadcast_in_dim3A_87 = vector.shape_cast %reduce_sum3A_86 : vector<10xf32> to vector<10x1xf32>
    %gt3A_88 = arith.constant 9.99999996E-13 : f32
    %gt3A_89 = vector.broadcast %gt3A_88 : f32 to vector<10x1xf32>
    %gt3A_90 = arith.cmpf ogt, %broadcast_in_dim3A_87, %gt3A_89 : vector<10x1xf32>
    %max3A_91 = arith.constant 9.99999996E-13 : f32
    %max3A_92 = vector.broadcast %max3A_91 : f32 to vector<10x1xf32>
    %max3A_93 = arith.maximumf %broadcast_in_dim3A_87, %max3A_92 : vector<10x1xf32>
    %sqrt3A_94 = math.sqrt %max3A_93 : vector<10x1xf32>
    %jit3A_95 = arith.constant 0.000000e+00 : f32
    %broadcast_in_dim3A_96 = vector.broadcast %jit3A_95 : f32 to vector<10x1xf32>
    %select_n3A_97 = arith.select %gt3A_90, %sqrt3A_94, %broadcast_in_dim3A_96 : vector<10x1xi1>, vector<10x1xf32>
    %reduce_sum3A_98 = vector.shape_cast %select_n3A_97 : vector<10x1xf32> to vector<1x10x1xf32>
    %reduce_sum3A_99 = arith.constant dense<0.000000e+00> : vector<1xf32>
    %reduce_sum3A_100 = vector.multi_reduction <add>, %reduce_sum3A_98, %reduce_sum3A_99 [1, 2] : vector<1x10x1xf32> to vector<1xf32>
    %reduce_sum3A_101 = vector.shape_cast %reduce_sum3A_100 : vector<1xf32> to vector<1x1x1xf32>
    %reduce_sum3A_102 = vector.extract %reduce_sum3A_101[0, 0, 0] : f32 from vector<1x1x1xf32>
    %add3A_103 = arith.addf %add3A_80, %reduce_sum3A_102 : f32
    %slice3A_104 = vector.extract_strided_slice %concatenate3A {offsets = [2, 0], sizes = [1, 256], strides = [1, 1]} : vector<10x256xf32> to vector<1x256xf32>
    %sub3A_105 = vector.broadcast %slice3A_104 : vector<1x256xf32> to vector<10x256xf32>
    %sub3A_106 = arith.subf %concatenate3A, %sub3A_105 : vector<10x256xf32>
    %mul3A_107 = arith.mulf %sub3A_106, %sub3A_106 : vector<10x256xf32>
    %reduce_sum3A_108 = arith.constant dense<0.000000e+00> : vector<10xf32>
    %reduce_sum3A_109 = vector.multi_reduction <add>, %mul3A_107, %reduce_sum3A_108 [1] : vector<10x256xf32> to vector<10xf32>
    %broadcast_in_dim3A_110 = vector.shape_cast %reduce_sum3A_109 : vector<10xf32> to vector<10x1xf32>
    %gt3A_111 = arith.constant 9.99999996E-13 : f32
    %gt3A_112 = vector.broadcast %gt3A_111 : f32 to vector<10x1xf32>
    %gt3A_113 = arith.cmpf ogt, %broadcast_in_dim3A_110, %gt3A_112 : vector<10x1xf32>
    %max3A_114 = arith.constant 9.99999996E-13 : f32
    %max3A_115 = vector.broadcast %max3A_114 : f32 to vector<10x1xf32>
    %max3A_116 = arith.maximumf %broadcast_in_dim3A_110, %max3A_115 : vector<10x1xf32>
    %sqrt3A_117 = math.sqrt %max3A_116 : vector<10x1xf32>
    %jit3A_118 = arith.constant 0.000000e+00 : f32
    %broadcast_in_dim3A_119 = vector.broadcast %jit3A_118 : f32 to vector<10x1xf32>
    %select_n3A_120 = arith.select %gt3A_113, %sqrt3A_117, %broadcast_in_dim3A_119 : vector<10x1xi1>, vector<10x1xf32>
    %reduce_sum3A_121 = vector.shape_cast %select_n3A_120 : vector<10x1xf32> to vector<1x10x1xf32>
    %reduce_sum3A_122 = arith.constant dense<0.000000e+00> : vector<1xf32>
    %reduce_sum3A_123 = vector.multi_reduction <add>, %reduce_sum3A_121, %reduce_sum3A_122 [1, 2] : vector<1x10x1xf32> to vector<1xf32>
    %reduce_sum3A_124 = vector.shape_cast %reduce_sum3A_123 : vector<1xf32> to vector<1x1x1xf32>
    %reduce_sum3A_125 = vector.extract %reduce_sum3A_124[0, 0, 0] : f32 from vector<1x1x1xf32>
    %add3A_126 = arith.addf %add3A_103, %reduce_sum3A_125 : f32
    %slice3A_127 = vector.extract_strided_slice %concatenate3A {offsets = [3, 0], sizes = [1, 256], strides = [1, 1]} : vector<10x256xf32> to vector<1x256xf32>
    %sub3A_128 = vector.broadcast %slice3A_127 : vector<1x256xf32> to vector<10x256xf32>
    %sub3A_129 = arith.subf %concatenate3A, %sub3A_128 : vector<10x256xf32>
    %mul3A_130 = arith.mulf %sub3A_129, %sub3A_129 : vector<10x256xf32>
    %reduce_sum3A_131 = arith.constant dense<0.000000e+00> : vector<10xf32>
    %reduce_sum3A_132 = vector.multi_reduction <add>, %mul3A_130, %reduce_sum3A_131 [1] : vector<10x256xf32> to vector<10xf32>
    %broadcast_in_dim3A_133 = vector.shape_cast %reduce_sum3A_132 : vector<10xf32> to vector<10x1xf32>
    %gt3A_134 = arith.constant 9.99999996E-13 : f32
    %gt3A_135 = vector.broadcast %gt3A_134 : f32 to vector<10x1xf32>
    %gt3A_136 = arith.cmpf ogt, %broadcast_in_dim3A_133, %gt3A_135 : vector<10x1xf32>
    %max3A_137 = arith.constant 9.99999996E-13 : f32
    %max3A_138 = vector.broadcast %max3A_137 : f32 to vector<10x1xf32>
    %max3A_139 = arith.maximumf %broadcast_in_dim3A_133, %max3A_138 : vector<10x1xf32>
    %sqrt3A_140 = math.sqrt %max3A_139 : vector<10x1xf32>
    %jit3A_141 = arith.constant 0.000000e+00 : f32
    %broadcast_in_dim3A_142 = vector.broadcast %jit3A_141 : f32 to vector<10x1xf32>
    %select_n3A_143 = arith.select %gt3A_136, %sqrt3A_140, %broadcast_in_dim3A_142 : vector<10x1xi1>, vector<10x1xf32>
    %reduce_sum3A_144 = vector.shape_cast %select_n3A_143 : vector<10x1xf32> to vector<1x10x1xf32>
    %reduce_sum3A_145 = arith.constant dense<0.000000e+00> : vector<1xf32>
    %reduce_sum3A_146 = vector.multi_reduction <add>, %reduce_sum3A_144, %reduce_sum3A_145 [1, 2] : vector<1x10x1xf32> to vector<1xf32>
    %reduce_sum3A_147 = vector.shape_cast %reduce_sum3A_146 : vector<1xf32> to vector<1x1x1xf32>
    %reduce_sum3A_148 = vector.extract %reduce_sum3A_147[0, 0, 0] : f32 from vector<1x1x1xf32>
    %add3A_149 = arith.addf %add3A_126, %reduce_sum3A_148 : f32
    %slice3A_150 = vector.extract_strided_slice %concatenate3A {offsets = [4, 0], sizes = [1, 256], strides = [1, 1]} : vector<10x256xf32> to vector<1x256xf32>
    %sub3A_151 = vector.broadcast %slice3A_150 : vector<1x256xf32> to vector<10x256xf32>
    %sub3A_152 = arith.subf %concatenate3A, %sub3A_151 : vector<10x256xf32>
    %mul3A_153 = arith.mulf %sub3A_152, %sub3A_152 : vector<10x256xf32>
    %reduce_sum3A_154 = arith.constant dense<0.000000e+00> : vector<10xf32>
    %reduce_sum3A_155 = vector.multi_reduction <add>, %mul3A_153, %reduce_sum3A_154 [1] : vector<10x256xf32> to vector<10xf32>
    %broadcast_in_dim3A_156 = vector.shape_cast %reduce_sum3A_155 : vector<10xf32> to vector<10x1xf32>
    %gt3A_157 = arith.constant 9.99999996E-13 : f32
    %gt3A_158 = vector.broadcast %gt3A_157 : f32 to vector<10x1xf32>
    %gt3A_159 = arith.cmpf ogt, %broadcast_in_dim3A_156, %gt3A_158 : vector<10x1xf32>
    %max3A_160 = arith.constant 9.99999996E-13 : f32
    %max3A_161 = vector.broadcast %max3A_160 : f32 to vector<10x1xf32>
    %max3A_162 = arith.maximumf %broadcast_in_dim3A_156, %max3A_161 : vector<10x1xf32>
    %sqrt3A_163 = math.sqrt %max3A_162 : vector<10x1xf32>
    %jit3A_164 = arith.constant 0.000000e+00 : f32
    %broadcast_in_dim3A_165 = vector.broadcast %jit3A_164 : f32 to vector<10x1xf32>
    %select_n3A_166 = arith.select %gt3A_159, %sqrt3A_163, %broadcast_in_dim3A_165 : vector<10x1xi1>, vector<10x1xf32>
    %reduce_sum3A_167 = vector.shape_cast %select_n3A_166 : vector<10x1xf32> to vector<1x10x1xf32>
    %reduce_sum3A_168 = arith.constant dense<0.000000e+00> : vector<1xf32>
    %reduce_sum3A_169 = vector.multi_reduction <add>, %reduce_sum3A_167, %reduce_sum3A_168 [1, 2] : vector<1x10x1xf32> to vector<1xf32>
    %reduce_sum3A_170 = vector.shape_cast %reduce_sum3A_169 : vector<1xf32> to vector<1x1x1xf32>
    %reduce_sum3A_171 = vector.extract %reduce_sum3A_170[0, 0, 0] : f32 from vector<1x1x1xf32>
    %add3A_172 = arith.addf %add3A_149, %reduce_sum3A_171 : f32
    %slice3A_173 = vector.extract_strided_slice %concatenate3A {offsets = [5, 0], sizes = [1, 256], strides = [1, 1]} : vector<10x256xf32> to vector<1x256xf32>
    %sub3A_174 = vector.broadcast %slice3A_173 : vector<1x256xf32> to vector<10x256xf32>
    %sub3A_175 = arith.subf %concatenate3A, %sub3A_174 : vector<10x256xf32>
    %mul3A_176 = arith.mulf %sub3A_175, %sub3A_175 : vector<10x256xf32>
    %reduce_sum3A_177 = arith.constant dense<0.000000e+00> : vector<10xf32>
    %reduce_sum3A_178 = vector.multi_reduction <add>, %mul3A_176, %reduce_sum3A_177 [1] : vector<10x256xf32> to vector<10xf32>
    %broadcast_in_dim3A_179 = vector.shape_cast %reduce_sum3A_178 : vector<10xf32> to vector<10x1xf32>
    %gt3A_180 = arith.constant 9.99999996E-13 : f32
    %gt3A_181 = vector.broadcast %gt3A_180 : f32 to vector<10x1xf32>
    %gt3A_182 = arith.cmpf ogt, %broadcast_in_dim3A_179, %gt3A_181 : vector<10x1xf32>
    %max3A_183 = arith.constant 9.99999996E-13 : f32
    %max3A_184 = vector.broadcast %max3A_183 : f32 to vector<10x1xf32>
    %max3A_185 = arith.maximumf %broadcast_in_dim3A_179, %max3A_184 : vector<10x1xf32>
    %sqrt3A_186 = math.sqrt %max3A_185 : vector<10x1xf32>
    %jit3A_187 = arith.constant 0.000000e+00 : f32
    %broadcast_in_dim3A_188 = vector.broadcast %jit3A_187 : f32 to vector<10x1xf32>
    %select_n3A_189 = arith.select %gt3A_182, %sqrt3A_186, %broadcast_in_dim3A_188 : vector<10x1xi1>, vector<10x1xf32>
    %reduce_sum3A_190 = vector.shape_cast %select_n3A_189 : vector<10x1xf32> to vector<1x10x1xf32>
    %reduce_sum3A_191 = arith.constant dense<0.000000e+00> : vector<1xf32>
    %reduce_sum3A_192 = vector.multi_reduction <add>, %reduce_sum3A_190, %reduce_sum3A_191 [1, 2] : vector<1x10x1xf32> to vector<1xf32>
    %reduce_sum3A_193 = vector.shape_cast %reduce_sum3A_192 : vector<1xf32> to vector<1x1x1xf32>
    %reduce_sum3A_194 = vector.extract %reduce_sum3A_193[0, 0, 0] : f32 from vector<1x1x1xf32>
    %add3A_195 = arith.addf %add3A_172, %reduce_sum3A_194 : f32
    %slice3A_196 = vector.extract_strided_slice %concatenate3A {offsets = [6, 0], sizes = [1, 256], strides = [1, 1]} : vector<10x256xf32> to vector<1x256xf32>
    %sub3A_197 = vector.broadcast %slice3A_196 : vector<1x256xf32> to vector<10x256xf32>
    %sub3A_198 = arith.subf %concatenate3A, %sub3A_197 : vector<10x256xf32>
    %mul3A_199 = arith.mulf %sub3A_198, %sub3A_198 : vector<10x256xf32>
    %reduce_sum3A_200 = arith.constant dense<0.000000e+00> : vector<10xf32>
    %reduce_sum3A_201 = vector.multi_reduction <add>, %mul3A_199, %reduce_sum3A_200 [1] : vector<10x256xf32> to vector<10xf32>
    %broadcast_in_dim3A_202 = vector.shape_cast %reduce_sum3A_201 : vector<10xf32> to vector<10x1xf32>
    %gt3A_203 = arith.constant 9.99999996E-13 : f32
    %gt3A_204 = vector.broadcast %gt3A_203 : f32 to vector<10x1xf32>
    %gt3A_205 = arith.cmpf ogt, %broadcast_in_dim3A_202, %gt3A_204 : vector<10x1xf32>
    %max3A_206 = arith.constant 9.99999996E-13 : f32
    %max3A_207 = vector.broadcast %max3A_206 : f32 to vector<10x1xf32>
    %max3A_208 = arith.maximumf %broadcast_in_dim3A_202, %max3A_207 : vector<10x1xf32>
    %sqrt3A_209 = math.sqrt %max3A_208 : vector<10x1xf32>
    %jit3A_210 = arith.constant 0.000000e+00 : f32
    %broadcast_in_dim3A_211 = vector.broadcast %jit3A_210 : f32 to vector<10x1xf32>
    %select_n3A_212 = arith.select %gt3A_205, %sqrt3A_209, %broadcast_in_dim3A_211 : vector<10x1xi1>, vector<10x1xf32>
    %reduce_sum3A_213 = vector.shape_cast %select_n3A_212 : vector<10x1xf32> to vector<1x10x1xf32>
    %reduce_sum3A_214 = arith.constant dense<0.000000e+00> : vector<1xf32>
    %reduce_sum3A_215 = vector.multi_reduction <add>, %reduce_sum3A_213, %reduce_sum3A_214 [1, 2] : vector<1x10x1xf32> to vector<1xf32>
    %reduce_sum3A_216 = vector.shape_cast %reduce_sum3A_215 : vector<1xf32> to vector<1x1x1xf32>
    %reduce_sum3A_217 = vector.extract %reduce_sum3A_216[0, 0, 0] : f32 from vector<1x1x1xf32>
    %add3A_218 = arith.addf %add3A_195, %reduce_sum3A_217 : f32
    %slice3A_219 = vector.extract_strided_slice %concatenate3A {offsets = [7, 0], sizes = [1, 256], strides = [1, 1]} : vector<10x256xf32> to vector<1x256xf32>
    %sub3A_220 = vector.broadcast %slice3A_219 : vector<1x256xf32> to vector<10x256xf32>
    %sub3A_221 = arith.subf %concatenate3A, %sub3A_220 : vector<10x256xf32>
    %mul3A_222 = arith.mulf %sub3A_221, %sub3A_221 : vector<10x256xf32>
    %reduce_sum3A_223 = arith.constant dense<0.000000e+00> : vector<10xf32>
    %reduce_sum3A_224 = vector.multi_reduction <add>, %mul3A_222, %reduce_sum3A_223 [1] : vector<10x256xf32> to vector<10xf32>
    %broadcast_in_dim3A_225 = vector.shape_cast %reduce_sum3A_224 : vector<10xf32> to vector<10x1xf32>
    %gt3A_226 = arith.constant 9.99999996E-13 : f32
    %gt3A_227 = vector.broadcast %gt3A_226 : f32 to vector<10x1xf32>
    %gt3A_228 = arith.cmpf ogt, %broadcast_in_dim3A_225, %gt3A_227 : vector<10x1xf32>
    %max3A_229 = arith.constant 9.99999996E-13 : f32
    %max3A_230 = vector.broadcast %max3A_229 : f32 to vector<10x1xf32>
    %max3A_231 = arith.maximumf %broadcast_in_dim3A_225, %max3A_230 : vector<10x1xf32>
    %sqrt3A_232 = math.sqrt %max3A_231 : vector<10x1xf32>
    %jit3A_233 = arith.constant 0.000000e+00 : f32
    %broadcast_in_dim3A_234 = vector.broadcast %jit3A_233 : f32 to vector<10x1xf32>
    %select_n3A_235 = arith.select %gt3A_228, %sqrt3A_232, %broadcast_in_dim3A_234 : vector<10x1xi1>, vector<10x1xf32>
    %reduce_sum3A_236 = vector.shape_cast %select_n3A_235 : vector<10x1xf32> to vector<1x10x1xf32>
    %reduce_sum3A_237 = arith.constant dense<0.000000e+00> : vector<1xf32>
    %reduce_sum3A_238 = vector.multi_reduction <add>, %reduce_sum3A_236, %reduce_sum3A_237 [1, 2] : vector<1x10x1xf32> to vector<1xf32>
    %reduce_sum3A_239 = vector.shape_cast %reduce_sum3A_238 : vector<1xf32> to vector<1x1x1xf32>
    %reduce_sum3A_240 = vector.extract %reduce_sum3A_239[0, 0, 0] : f32 from vector<1x1x1xf32>
    %add3A_241 = arith.addf %add3A_218, %reduce_sum3A_240 : f32
    %slice3A_242 = vector.extract_strided_slice %concatenate3A {offsets = [8, 0], sizes = [1, 256], strides = [1, 1]} : vector<10x256xf32> to vector<1x256xf32>
    %sub3A_243 = vector.broadcast %slice3A_242 : vector<1x256xf32> to vector<10x256xf32>
    %sub3A_244 = arith.subf %concatenate3A, %sub3A_243 : vector<10x256xf32>
    %mul3A_245 = arith.mulf %sub3A_244, %sub3A_244 : vector<10x256xf32>
    %reduce_sum3A_246 = arith.constant dense<0.000000e+00> : vector<10xf32>
    %reduce_sum3A_247 = vector.multi_reduction <add>, %mul3A_245, %reduce_sum3A_246 [1] : vector<10x256xf32> to vector<10xf32>
    %broadcast_in_dim3A_248 = vector.shape_cast %reduce_sum3A_247 : vector<10xf32> to vector<10x1xf32>
    %gt3A_249 = arith.constant 9.99999996E-13 : f32
    %gt3A_250 = vector.broadcast %gt3A_249 : f32 to vector<10x1xf32>
    %gt3A_251 = arith.cmpf ogt, %broadcast_in_dim3A_248, %gt3A_250 : vector<10x1xf32>
    %max3A_252 = arith.constant 9.99999996E-13 : f32
    %max3A_253 = vector.broadcast %max3A_252 : f32 to vector<10x1xf32>
    %max3A_254 = arith.maximumf %broadcast_in_dim3A_248, %max3A_253 : vector<10x1xf32>
    %sqrt3A_255 = math.sqrt %max3A_254 : vector<10x1xf32>
    %jit3A_256 = arith.constant 0.000000e+00 : f32
    %broadcast_in_dim3A_257 = vector.broadcast %jit3A_256 : f32 to vector<10x1xf32>
    %select_n3A_258 = arith.select %gt3A_251, %sqrt3A_255, %broadcast_in_dim3A_257 : vector<10x1xi1>, vector<10x1xf32>
    %reduce_sum3A_259 = vector.shape_cast %select_n3A_258 : vector<10x1xf32> to vector<1x10x1xf32>
    %reduce_sum3A_260 = arith.constant dense<0.000000e+00> : vector<1xf32>
    %reduce_sum3A_261 = vector.multi_reduction <add>, %reduce_sum3A_259, %reduce_sum3A_260 [1, 2] : vector<1x10x1xf32> to vector<1xf32>
    %reduce_sum3A_262 = vector.shape_cast %reduce_sum3A_261 : vector<1xf32> to vector<1x1x1xf32>
    %reduce_sum3A_263 = vector.extract %reduce_sum3A_262[0, 0, 0] : f32 from vector<1x1x1xf32>
    %add3A_264 = arith.addf %add3A_241, %reduce_sum3A_263 : f32
    %slice3A_265 = vector.extract_strided_slice %concatenate3A {offsets = [9, 0], sizes = [1, 256], strides = [1, 1]} : vector<10x256xf32> to vector<1x256xf32>
    %sub3A_266 = vector.broadcast %slice3A_265 : vector<1x256xf32> to vector<10x256xf32>
    %sub3A_267 = arith.subf %concatenate3A, %sub3A_266 : vector<10x256xf32>
    %mul3A_268 = arith.mulf %sub3A_267, %sub3A_267 : vector<10x256xf32>
    %reduce_sum3A_269 = arith.constant dense<0.000000e+00> : vector<10xf32>
    %reduce_sum3A_270 = vector.multi_reduction <add>, %mul3A_268, %reduce_sum3A_269 [1] : vector<10x256xf32> to vector<10xf32>
    %broadcast_in_dim3A_271 = vector.shape_cast %reduce_sum3A_270 : vector<10xf32> to vector<10x1xf32>
    %gt3A_272 = arith.constant 9.99999996E-13 : f32
    %gt3A_273 = vector.broadcast %gt3A_272 : f32 to vector<10x1xf32>
    %gt3A_274 = arith.cmpf ogt, %broadcast_in_dim3A_271, %gt3A_273 : vector<10x1xf32>
    %max3A_275 = arith.constant 9.99999996E-13 : f32
    %max3A_276 = vector.broadcast %max3A_275 : f32 to vector<10x1xf32>
    %max3A_277 = arith.maximumf %broadcast_in_dim3A_271, %max3A_276 : vector<10x1xf32>
    %sqrt3A_278 = math.sqrt %max3A_277 : vector<10x1xf32>
    %jit3A_279 = arith.constant 0.000000e+00 : f32
    %broadcast_in_dim3A_280 = vector.broadcast %jit3A_279 : f32 to vector<10x1xf32>
    %select_n3A_281 = arith.select %gt3A_274, %sqrt3A_278, %broadcast_in_dim3A_280 : vector<10x1xi1>, vector<10x1xf32>
    %reduce_sum3A_282 = vector.shape_cast %select_n3A_281 : vector<10x1xf32> to vector<1x10x1xf32>
    %reduce_sum3A_283 = arith.constant dense<0.000000e+00> : vector<1xf32>
    %reduce_sum3A_284 = vector.multi_reduction <add>, %reduce_sum3A_282, %reduce_sum3A_283 [1, 2] : vector<1x10x1xf32> to vector<1xf32>
    %reduce_sum3A_285 = vector.shape_cast %reduce_sum3A_284 : vector<1xf32> to vector<1x1x1xf32>
    %reduce_sum3A_286 = vector.extract %reduce_sum3A_285[0, 0, 0] : f32 from vector<1x1x1xf32>
    %add3A_287 = arith.addf %add3A_264, %reduce_sum3A_286 : f32
    %div3A_288 = arith.constant 9.000000e+01 : f32
    %div3A_289 = arith.divf %add3A_287, %div3A_288 : f32
    %sqrt3A_290 = math.sqrt %reduce_sum3A_20 : f32
    %mul3A_291 = arith.mulf %sqrt3A_290, %div3A_289 : f32
    %swap3A = arith.constant 0 : index
    %swap3A_292 = arith.constant 0 : index
    %swap3A_293 = memref.load %arg12[%swap3A, %swap3A_292] : memref<1x1xf32, #tpu.memory_space<smem>>
    memref.store %mul3A_291, %arg12[%swap3A, %swap3A_292] : memref<1x1xf32, #tpu.memory_space<smem>>
    %swap3A_294 = arith.constant 0 : index
    %swap3A_295 = arith.constant 0 : index
    %swap3A_296 = memref.load %arg13[%swap3A_294, %swap3A_295] : memref<1x1xf32, #tpu.memory_space<smem>>
    memref.store %div3A_31, %arg13[%swap3A_294, %swap3A_295] : memref<1x1xf32, #tpu.memory_space<smem>>
    %swap3A_297 = arith.constant 0 : index
    %swap3A_298 = arith.constant 0 : index
    %swap3A_299 = memref.load %arg14[%swap3A_297, %swap3A_298] : memref<1x1xf32, #tpu.memory_space<smem>>
    memref.store %reduce_sum3A_20, %arg14[%swap3A_297, %swap3A_298] : memref<1x1xf32, #tpu.memory_space<smem>>
    return
  }
  func.func @transform_0(%arg0: i32) -> (i32, i32) {
    %c0_i32 = arith.constant 0 : i32
    %c0_i32_0 = arith.constant 0 : i32
    %c0_i32_1 = arith.constant 0 : i32
    return %c0_i32, %c0_i32_0 : i32, i32
  }
  func.func @transform_1(%arg0: i32) -> (i32, i32) {
    %c495_i32 = arith.constant 495 : i32
    %c0_i32 = arith.constant 0 : i32
    %c0_i32_0 = arith.constant 0 : i32
    return %c495_i32, %c0_i32 : i32, i32
  }
  func.func @transform_2(%arg0: i32) -> (i32, i32) {
    %c422_i32 = arith.constant 422 : i32
    %c0_i32 = arith.constant 0 : i32
    %c0_i32_0 = arith.constant 0 : i32
    return %c422_i32, %c0_i32 : i32, i32
  }
  func.func @transform_3(%arg0: i32) -> (i32, i32) {
    %c436_i32 = arith.constant 436 : i32
    %c0_i32 = arith.constant 0 : i32
    %c0_i32_0 = arith.constant 0 : i32
    return %c436_i32, %c0_i32 : i32, i32
  }
  func.func @transform_4(%arg0: i32) -> (i32, i32) {
    %c185_i32 = arith.constant 185 : i32
    %c0_i32 = arith.constant 0 : i32
    %c0_i32_0 = arith.constant 0 : i32
    return %c185_i32, %c0_i32 : i32, i32
  }
  func.func @transform_5(%arg0: i32) -> (i32, i32) {
    %c482_i32 = arith.constant 482 : i32
    %c0_i32 = arith.constant 0 : i32
    %c0_i32_0 = arith.constant 0 : i32
    return %c482_i32, %c0_i32 : i32, i32
  }
  func.func @transform_6(%arg0: i32) -> (i32, i32) {
    %c351_i32 = arith.constant 351 : i32
    %c0_i32 = arith.constant 0 : i32
    %c0_i32_0 = arith.constant 0 : i32
    return %c351_i32, %c0_i32 : i32, i32
  }
  func.func @transform_7(%arg0: i32) -> (i32, i32) {
    %c458_i32 = arith.constant 458 : i32
    %c0_i32 = arith.constant 0 : i32
    %c0_i32_0 = arith.constant 0 : i32
    return %c458_i32, %c0_i32 : i32, i32
  }
  func.func @transform_8(%arg0: i32) -> (i32, i32) {
    %c137_i32 = arith.constant 137 : i32
    %c0_i32 = arith.constant 0 : i32
    %c0_i32_0 = arith.constant 0 : i32
    return %c137_i32, %c0_i32 : i32, i32
  }
  func.func @transform_9(%arg0: i32) -> (i32, i32) {
    %c129_i32 = arith.constant 129 : i32
    %c0_i32 = arith.constant 0 : i32
    %c0_i32_0 = arith.constant 0 : i32
    return %c129_i32, %c0_i32 : i32, i32
  }
  func.func @transform_10(%arg0: i32) -> (i32, i32) {
    %c415_i32 = arith.constant 415 : i32
    %c0_i32 = arith.constant 0 : i32
    %c0_i32_0 = arith.constant 0 : i32
    return %c415_i32, %c0_i32 : i32, i32
  }
  func.func @transform_11(%arg0: i32) -> (i32, i32) {
    %c0_i32 = arith.constant 0 : i32
    %c0_i32_0 = arith.constant 0 : i32
    %c0_i32_1 = arith.constant 0 : i32
    return %c0_i32, %c0_i32_0 : i32, i32
  }
  func.func @transform_12(%arg0: i32) -> (i32, i32) {
    %c0_i32 = arith.constant 0 : i32
    %c0_i32_0 = arith.constant 0 : i32
    %c0_i32_1 = arith.constant 0 : i32
    return %c0_i32, %c0_i32_0 : i32, i32
  }
  func.func @transform_13(%arg0: i32) -> (i32, i32) {
    %c0_i32 = arith.constant 0 : i32
    %c0_i32_0 = arith.constant 0 : i32
    %c0_i32_1 = arith.constant 0 : i32
    return %c0_i32, %c0_i32_0 : i32, i32
  }
}

</mosaic_0001>

<sc_bundles>
// kernel: kernel.4.cloned.1.call-start
scs
__scs_entry_jumppad:
0x0: {  	(pc) =	sbr.rel $0x88, $3  }
0x1: {  	(tag) =	ssettag $0x0;
	lr =	simm.s32 $0x1  }
0x2: {  	[smem:$0x3FA0] =	sst lr;
	_ =	strace $0xD0000000  }
0x3: {  	_ = 	snop  }
0x4: {  	_ = 	snop  }
0x5: {  	_ = 	snop  }
0x6: {  	_ = 	snop  }
0x7: {  	_ = 	snop  }
__scs_overlays_trampoline_lowered:
0x8: {  	[smem:$0x3FAF] =	sst s0  }
0x9: {  	[smem:$0x3FB0] =	sst s1  }
0xa: {  	[smem:$0x3FB1] =	sst s2  }
0xb: {  	[smem:$0x3FB2] =	sst s3  }
0xc: {  	[smem:$0x3FB3] =	sst s4  }
0xd: {  	[smem:$0x3FB4] =	sst s5  }
0xe: {  	[smem:$0x3FB5] =	sst s6  }
0xf: {  	[smem:$0x3FB6] =	sst s7  }
0x10: {  	[smem:$0x3FB7] =	sst s8  }
0x11: {  	[smem:$0x3FB8] =	sst s9;
	s0 =	simm.s32 @!p0 $0x0  }
0x12: {  	s1 =	sld [smem:$0x3F9E];
	s0 =	simm.s32 @p0 $0x1  }
0x13: {  	[smem:$0x3FB9] =	sst s0;
	s0 =	simm.s32 @!p1 $0x0  }
0x14: {  	s2 =	sld [smem:$0x3F9D];
	s0 =	simm.s32 @p1 $0x1  }
0x15: {  	[smem:$0x3FBA] =	sst s0;
	s0 =	simm.s32 @!p2 $0x0  }
0x16: {  	s3 =	sld [smem:$0x3FDB];
	s0 =	simm.s32 @p2 $0x1  }
0x17: {  	s4 =	simm.s32 $0x1BF5;
	[smem:$0x3FBC] =	sst s0  }
0x18: {  	s0 =	sld [smem:$0x3F9F];
	_ =	swait.ge [sflag:s4], $0x0  }
0x19: {  	s7 =	sld [smem:$0x3FA0]  }
0x1a: {  	s8 =	sadd.s32 $0xFFFFE003, lr  }
0x1b: {  	s9 =	sadd.s32 $0xFFFFFEF7, lr;
	s5 =	simm.s32 $0xFFFFFFFF;
	p2 =	slt.u32 s8, $0xFFFFF086  }
0x1c: {  	p1 =	slt.u32 s9, $0xF7A;
	s5 =	simm.s32 @!p2 $0x0  }
0x1d: {  	s5 =	simm.s32 @p1 $0x1;
	p0 =	seq.s32 s7, s2  }
0x1e: {  	s7 =	smul.u32 @!p0 $0xF7A, s2;
	p2 =	seq.s32 @!p0 s5, $0x0  }
0x1f: {  	s9 =	smul.u32 $0xF7A, s1;
	s8 =	simm.s32 @!p0 $0x1BF5;
	p2 =	por !p2, p0  }
0x20: {  	[sflag:s8] =	ssyncset.s32 @!p0 $0xFFFFF086;
	s6 =	sadd.s32 @!p0 s3, s7;
	s7 =	simm.s32 @!p0 $0x108  }
0x21: {  	s3 =	sadd.s32 s3, s9;
	s6 =	sadd.s32 @!p0 $0x88, s6;
	s7 =	simm.s32 @p2 $0x1082  }
0x22: {  	[simem:s7], [sflag:s8] =	dma.local @!p0 [hbm:s6], $0xF7A  }
0x23: {  	s9 =	sor.u32 $0xD0000000, s2;
	s6 =	simm.s32 $0x108;
	_ =	swait.ge @!p0 [sflag:s8], $0x0  }
0x24: {  	s3 =	sadd.s32 $0x88, s3;
	s6 =	simm.s32 @!p1 $0x1082;
	[sflag:s4] =	ssyncset.s32 $0xFFFFF086  }
0x25: {  	[simem:s6], [sflag:s4] =	dma.local [hbm:s3], $0xF7A  }
0x26: {  	[smem:$0x3FA0] =	sst s1;
	(tag) =	ssettag s2;
	_ =	strace s9  }
0x27: {  	s1 =	sld [smem:$0x3FB0]  }
0x28: {  	s2 =	sld [smem:$0x3FB1]  }
0x29: {  	s4 =	sld [smem:$0x3FB3]  }
0x2a: {  	p0 =	seq.s32 s5, $0x0;
	s5 =	sld [smem:$0x3FB4]  }
0x2b: {  	s6 =	sld [smem:$0x3FB5]  }
0x2c: {  	s7 =	sld [smem:$0x3FB6]  }
0x2d: {  	s3 =	simm.s32 $0x108;
	s8 =	sld [smem:$0x3FB7]  }
0x2e: {  	s3 =	simm.s32 @!p0 $0x1082;
	s9 =	sld [smem:$0x3FB8]  }
0x2f: {  	lr =	sadd.s32 s0, s3;
	s0 =	sld [smem:$0x3FAF]  }
0x30: {  	s3 =	sld [smem:$0x3FB2]  }
0x31: {  	[smem:$0x3FBB] =	sst s10  }
0x32: {  	s10 =	sld [smem:$0x3FB9];
	_ =	sdelay $0x3  }
0x33: {  	p0 =	seq.s32 s10, $0x1;
	s10 =	sld [smem:$0x3FBB];
	_ =	sdelay $0x3  }
0x34: {  	[smem:$0x3FBB] =	sst s10  }
0x35: {  	s10 =	sld [smem:$0x3FBA];
	_ =	sdelay $0x3  }
0x36: {  	p1 =	seq.s32 s10, $0x1;
	s10 =	sld [smem:$0x3FBB];
	_ =	sdelay $0x3  }
0x37: {  	[smem:$0x3FBB] =	sst s10  }
0x38: {  	s10 =	sld [smem:$0x3FBC]  }
0x39: {  	_ = 	snop;
	(pc) =	sbr.ind lr, $3  }
0x3a: {  	_ = 	snop  }
0x3b: {  	_ = 	snop  }
0x3c: {  	p2 =	seq.s32 s10, $0x1;
	s10 =	sld [smem:$0x3FBB]  }
0x3d: {  	_ =	shalt  }
0x3e: {  	_ =	shalt  }
0x3f: {  	_ =	shalt  }
0x40: {  	_ =	shalt  }
0x41: {  	_ =	shalt  }
0x42: {  	_ =	shalt  }
0x43: {  	_ =	shalt  }
0x44: {  	_ =	shalt  }
0x45: {  	_ =	shalt  }
0x46: {  	_ =	shalt  }
0x47: {  	_ =	shalt  }
0x48: {  	_ =	shalt  }
0x49: {  	_ =	shalt  }
0x4a: {  	_ =	shalt  }
0x4b: {  	_ =	shalt  }
0x4c: {  	_ =	shalt  }
0x4d: {  	_ =	shalt  }
0x4e: {  	_ =	shalt  }
0x4f: {  	_ =	shalt  }
0x50: {  	_ =	shalt  }
0x51: {  	_ =	shalt  }
0x52: {  	_ =	shalt  }
0x53: {  	_ =	shalt  }
0x54: {  	_ =	shalt  }
0x55: {  	_ =	shalt  }
0x56: {  	_ =	shalt  }
0x57: {  	_ =	shalt  }
0x58: {  	_ =	shalt  }
0x59: {  	_ =	shalt  }
0x5a: {  	_ =	shalt  }
0x5b: {  	_ =	shalt  }
0x5c: {  	_ =	shalt  }
0x5d: {  	_ =	shalt  }
0x5e: {  	_ =	shalt  }
0x5f: {  	_ =	shalt  }
0x60: {  	_ =	shalt  }
0x61: {  	_ =	shalt  }
0x62: {  	_ =	shalt  }
0x63: {  	_ =	shalt  }
0x64: {  	_ =	shalt  }
0x65: {  	_ =	shalt  }
0x66: {  	_ =	shalt  }
0x67: {  	_ =	shalt  }
0x68: {  	_ =	shalt  }
0x69: {  	_ =	shalt  }
0x6a: {  	_ =	shalt  }
0x6b: {  	_ =	shalt  }
0x6c: {  	_ =	shalt  }
0x6d: {  	_ =	shalt  }
0x6e: {  	_ =	shalt  }
0x6f: {  	_ =	shalt  }
0x70: {  	_ =	shalt  }
0x71: {  	_ =	shalt  }
0x72: {  	_ =	shalt  }
0x73: {  	_ =	shalt  }
0x74: {  	_ =	shalt  }
0x75: {  	_ =	shalt  }
0x76: {  	_ =	shalt  }
0x77: {  	_ =	shalt  }
0x78: {  	_ =	shalt  }
0x79: {  	_ =	shalt  }
0x7a: {  	_ =	shalt  }
0x7b: {  	_ =	shalt  }
0x7c: {  	_ =	shalt  }
0x7d: {  	_ =	shalt  }
0x7e: {  	_ =	shalt  }
0x7f: {  	_ =	shalt  }
0x80: {  	_ =	shalt  }
0x81: {  	_ =	shalt  }
0x82: {  	_ =	shalt  }
0x83: {  	_ =	shalt  }
0x84: {  	_ =	shalt  }
0x85: {  	_ =	shalt  }
0x86: {  	_ =	shalt  }
0x87: {  	_ =	shalt  }
.Lfunc_end0:
.L_simem_size_0:
called_computation_lowered:
.L_overlay_start_0:
0x88: {  	s2 =	sld [smem:$0x3FD9]  }
0x89: {  	s3 =	sld [smem:$0x3FFE];
	_ =	sdelay $0x1  }
0x8a: {  	s1 =	srdreg.scid  }
0x8b: {  	s0 =	sand.u32 $0x1, s1  }
0x8c: {  	s17 =	sshll.u32 s0, $0xA;
	s2 =	sadd.s32 s3, s2  }
0x8d: {  	s2 =	sadd.s32 s2, s17  }
0x8e: {  	[smem:$0x3FC7] =	sst s2  }
0x8f: {  	_ = 	snop  }
0x90: {  	s2 =	sld [smem:$0x3FC9];
	(tm) =	ssettm $0x1  }
0x91: {  	s18 =	sld [smem:$0x3FFB];
	_ =	sdelay $0x3  }
0x92: {  	_ =	strace s18  }
0x93: {  	s3 =	sld [smem:$0x3FFC];
	_ =	sdelay $0x3  }
0x94: {  	_ =	strace s3  }
0x95: {  	s3 =	sld [smem:$0x3FFD];
	_ =	sdelay $0x3  }
0x96: {  	_ =	strace s3  }
0x97: {  	_ =	strace $0x8FFFFFFF  }
0x98: {  	s19 =	sld [smem:$0x3FDB];
	_ =	sdelay $0x1  }
0x99: {  	s4 =	simm.s32 $_scs_section_size  }
0x9a: {  	s5 =	simm.s32 $_size__tile_overlayer_lowered;
	s6 =	simm.s32 $_tile_overlayer_lowered  }
0x9b: {  	s22 =	simm.s32 $0x1BFF;
	s21 =	sshll.u32 s6, $0x1;
	s3 =	sadd.s32 s4, s19  }
0x9c: {  	s7 =	simm.s32 $0x0;
	s20 =	sshll.u32 s5, $0x1;
	s5 =	sadd.s32 s21, s3  }
0x9d: {  	[timem:s7], [sflag:s22] =	dma.local [hbm:s5], s20  }
0x9e: {  	_ =	swait.ge [sflag:s22], s20  }
0x9f: {  	s4 =	ssub.s32 $0x0, s20;
	[sflag:s22] =	ssyncset.done $0x0  }
0xa0: {  	[sflag:s22] =	ssyncadd.s32 s4;
	_ =	sdelay $0x1  }
0xa1: {  	s23 =	simm.s32 $0x1B8B  }
0xa2: {  	_ =	swait.ge [sflag:s23], $0x1  }
0xa3: {  	[sflag:s23] =	ssyncset.done $0x0  }
0xa4: {  	s25 =	simm.s32 $0x1B8E;
	s24 =	sld [smem:$0x3FFE];
	[sflag:s23] =	ssyncadd.s32 $0xFFFFFFFF  }
0xa5: {  	s26 =	simm.s32 $execute0_lowered;
	[smem:$0x3FD2] =	sst s25  }
0xa6: {  	s5 =	sshll.u32 s26, $0x1;
	_ =	strace $0x80000046;
	[dreg:$0x1] =	wrdreg $0xFFFFFFFF  }
0xa7: {  	s28 =	simm.s32 $_size_execute0_lowered;
	s3 =	sadd.s32 s3, s5;
	[dreg:$0x0] =	wrdreg $0x0  }
0xa8: {  	s5 =	sshll.u32 s28, $0x1;
	[dreg:$0x2] =	wrdreg s3  }
0xa9: {  	[dreg:$0x3] =	wrdreg s5  }
0xaa: {  	[dreg:$0x4] =	wrdreg $0xC0  }
0xab: {  	_ =	task [dreg:s7], $0x5FFFF  }
0xac: {  	[dreg:$0x1] =	wrdreg $0xFFFFFFFF  }
0xad: {  	[dreg:$0x0] =	wrdreg $0x60  }
0xae: {  	[dreg:$0x2] =	wrdreg s2  }
0xaf: {  	[dreg:$0x3] =	wrdreg s24  }
0xb0: {  	[dreg:$0x4] =	wrdreg $0x9  }
0xb1: {  	_ =	task.clear_ibuf [dreg:s7], $0x5FFFF;
	_ =	strace $0x90000046  }
0xb2: {  	s29 =	simm.s32 $0x9;
	_ =	strace $0x80000048  }
0xb3: {  	_ =	swait.ge [sflag:s29], $0x1  }
0xb4: {  	[sflag:s29] =	ssyncadd.s32 $0xFFFFFFFF  }
0xb5: {  	_ =	strace $0x90000048  }
0xb6: {  	_ =	sfence  }
0xb7: {  	s30 =	sld [smem:$0x0];
	_ =	sdelay $0x2  }
0xb8: {  	s31 =	sshll.u32 s1, $0xD;
	s1 =	sshrl.u32 s1, $0x2  }
0xb9: {  	s3 =	sand.u32 $0x4000, s31;
	s1 =	sadd.s32 s1, s30  }
0xba: {  	s0 =	sor.u32 s3, s0;
	s1 =	sshll.u32 s1, $0x11  }
0xbb: {  	s0 =	sor.u32 s1, s0  }
0xbc: {  	s0 =	sadd.s32 $0x8F2B, s0  }
0xbd: {  	[sflag:s0] =	ssyncadd.remote.s32 $0x1  }
0xbe: {  	_ =	sfence.sel $0xFFFF  }
0xbf: {  	[dreg:$0x0] =	wrdreg $0xFFFFFFFF;
	(pc) =	sbr.abs _section_cstart, $3  }
0xc0: {  	[dreg:$0x1] =	wrdreg $0xFFFFFFFF  }
0xc1: {  	_ =	task.clear_ibuf [dreg:s7], $0x2FFFF;
	_ =	strace $0x9FFFFFFF  }
0xc2: {  	(tm) =	ssettm $0x7FFFFFFF  }
0xc3: {  	_ =	shalt  }
tec
execute0_lowered:
.L_overlay_start_1:
0x0: {  	(tag) =	ssettag $0x1  }
0x1: {  	s3 =	rddreg [dreg:$0x0]  }
0x2: {  	s4 =	rddreg [dreg:$0x1]  }
0x3: {  	s0 =	rddreg [dreg:$0x2]  }
0x4: {  	s2 =	simm.s32 $0x0;
	s1 =	stileid.u32;
	s5 =	srdreg.scid  }
0x5: {  	s9 =	simm.s32 $0x2;
	s10 =	simm.s32 $0x80;
	s11 =	simm.s32 $0x400  }
0x6: {  	s12 =	simm.s32 $0x8000;
	s13 =	simm.s32 $0x3;
	s14 =	simm.s32 $0x0  }
0x7: {  	s6 =	sshll.u32 s1, $0x7;
	s5 =	sand.u32 $0x1, s5;
	s7 =	sshll.u32 s1, $0x1  }
0x8: {  	[smem:$0x7FF] =	sst s2;
	s6 =	sand.u32 $0x600, s6;
	s7 =	sor.u32 s5, s7  }
0x9: {  	_ =	strace $0x80000047;
	s5 =	ssub.s32 $0x2, s5;
	s4 =	sadd.s32 s6, s4  }
0xa: {  	s30 =	sshll.u32 s7, $0x4;
	s7 =	sshll.u32 s7, $0xC;
	s8 =	sshrl.u32 s5, $0x1  }
0xb: {  	s6 =	sand.u32 $0x70, s30;
	s3 =	sadd.s32 s3, s7;
	s31 =	ssub.s32 s5, s8  }
0xc: {  	s7 =	simm.s32 $0x4000;
	s8 =	simm.s32 $0x1;
	s6 =	sadd.s32 s6, s4  }
0xd: {  	s4 =	sadd.s32 $0x800, s3;
	s5 =	sadd.s32 $0xA00, s6;
	s6 =	smax.u32 s31, $0x1  }
.LBB2_1:
0xe: {  	[tilespmem:s2], [sflag:$0x1] =	stream.linear.gather [hbm4b:s3+s2], $0x4000, $0x38;
	[tilespmem:$0x8200] =	vst v63  }
0xf: {  	_ = 	snop  }
0x10: {  	[tilespmem:s7], [sflag:$0x2] =	stream.linear.gather [hbm4b:s4+s2], $0x4000, $0x38;
	[tilespmem:$0x8200] =	vst v63  }
0x11: {  	_ =	swait.ge [sflag:s8], $0x4000  }
0x12: {  	s15 =	sand.u32 $0x3800, s2;
	s16 =	sand.u32 $0x380, s2;
	[sflag:s8] =	ssyncset.done $0x0  }
0x13: {  	s15 =	sor.u32 s16, s15;
	[sflag:s8] =	ssyncadd.s32 $0xFFFFC000  }
0x14: {  	v0 =	vld [tilespmem:s15+$0x470]  }
0x15: {  	v1 =	vld [tilespmem:s15+$0x0]  }
0x16: {  	v2 =	vld [tilespmem:s15+$0x10]  }
0x17: {  	v3 =	vld [tilespmem:s15+$0x20]  }
0x18: {  	v18 =	vimm.f32 $0.0e+00;
	v31 =	vimm.f32 $0.0e+00;
	v28 =	vimm.f32 $0.0e+00;
	v4 =	vld [tilespmem:s15+$0x30]  }
0x19: {  	v29 =	vimm.f32 $0.0e+00;
	v24 =	vimm.f32 $0.0e+00;
	v27 =	vimm.f32 $0.0e+00;
	v5 =	vld [tilespmem:s15+$0x40]  }
0x1a: {  	v22 =	vimm.f32 $0.0e+00;
	v23 =	vimm.f32 $0.0e+00;
	v25 =	vimm.f32 $0.0e+00;
	v20 =	vld [tilespmem:s15+$0x70]  }
0x1b: {  	v26 =	vimm.f32 $0.0e+00;
	v21 =	vld [tilespmem:s15+$0x400];
	v16 =	vadd.f32 v0, v18;
	v0 =	vmul.f32 v0, v0  }
0x1c: {  	v6 =	vmul.f32 v1, v1;
	v17 =	vadd.f32 v1, v18;
	v11 =	vadd.f32 v2, v18  }
0x1d: {  	v19 =	vld [tilespmem:s15+$0x50];
	v1 =	vmul.f32 v2, v2;
	v7 =	vadd.f32 v3, v18;
	v8 =	vadd.f32 v4, v18  }
0x1e: {  	v30 =	vimm.f32 $0.0e+00;
	v2 =	vld [tilespmem:s15+$0x60];
	v9 =	vadd.f32 v5, v18;
	v12 =	vadd.f32 v0, v18  }
0x1f: {  	v0 =	vmul.f32 v3, v3;
	v14 =	vadd.f32 v1, v18;
	v1 =	vmul.f32 v4, v4  }
0x20: {  	v37 =	vmul.f32 v20, v20;
	v38 =	vmul.f32 v21, v21;
	v13 =	vadd.f32 v6, v18  }
0x21: {  	v35 =	vld [tilespmem:s15+$0x410];
	v15 =	vadd.f32 v0, v18;
	v0 =	vmul.f32 v5, v5;
	v10 =	vadd.f32 v1, v18  }
0x22: {  	v32 =	vld [tilespmem:s15+$0x420];
	v1 =	vmul.f32 v19, v19;
	v5 =	vadd.f32 v19, v18;
	v19 =	vimm.f32 $0.0e+00  }
0x23: {  	v33 =	vld [tilespmem:s15+$0x430];
	v3 =	vadd.f32 v2, v18;
	v6 =	vadd.f32 v0, v18;
	v0 =	vmul.f32 v2, v2  }
0x24: {  	s17 =	simm.s32 $0x100;
	s16 =	simm.s32 $0x80;
	v34 =	vld [tilespmem:s15+$0x440];
	v4 =	vadd.f32 v1, v18;
	v1 =	vadd.f32 v20, v18;
	v20 =	vimm.f32 $0.0e+00  }
0x25: {  	s18 =	sand.u32 $0x3800, s17;
	s17 =	simm.s32 $0x200;
	s19 =	sand.u32 $0x380, s16;
	v36 =	vld [tilespmem:s15+$0x450];
	v2 =	vadd.f32 v0, v18;
	v0 =	vadd.f32 v21, v18;
	v21 =	vimm.f32 $0.0e+00  }
.LBB2_2:
0x26: {  	p0 =	sne.s32 s17, $0x3F00;
	v18 =	vadd.f32 v37, v18;
	v31 =	vadd.f32 v35, v31;
	v35 =	vmul.f32 v35, v35;
	v37 =	vld [tilespmem:s15+$0x460];
	s15 =	sor.u32 s19, s18  }
0x27: {  	v39 =	vld [tilespmem:s15+$0x470];
	v28 =	vadd.f32 v38, v28;
	v29 =	vadd.f32 v32, v29;
	v32 =	vmul.f32 v32, v32  }
0x28: {  	v38 =	vld [tilespmem:s15+$0x0];
	v24 =	vadd.f32 v35, v24;
	v27 =	vadd.f32 v33, v27;
	v33 =	vmul.f32 v33, v33  }
0x29: {  	v35 =	vld [tilespmem:s15+$0x10];
	v22 =	vadd.f32 v32, v22;
	v23 =	vadd.f32 v34, v23;
	v32 =	vmul.f32 v34, v34  }
0x2a: {  	v34 =	vld [tilespmem:s15+$0x20];
	v25 =	vadd.f32 v33, v25;
	v26 =	vadd.f32 v36, v26;
	v33 =	vmul.f32 v36, v36  }
0x2b: {  	v36 =	vld [tilespmem:s15+$0x30];
	v21 =	vadd.f32 v32, v21;
	v30 =	vadd.f32 v37, v30;
	v32 =	vmul.f32 v37, v37  }
0x2c: {  	v37 =	vld [tilespmem:s15+$0x40];
	v16 =	vadd.f32 v39, v16;
	v39 =	vmul.f32 v39, v39;
	v20 =	vadd.f32 v33, v20  }
0x2d: {  	v17 =	vadd.f32 v38, v17;
	v33 =	vmul.f32 v38, v38;
	v38 =	vld [tilespmem:s15+$0x50];
	v19 =	vadd.f32 v32, v19  }
0x2e: {  	v11 =	vadd.f32 v35, v11;
	v32 =	vmul.f32 v35, v35;
	v40 =	vld [tilespmem:s15+$0x60];
	v12 =	vadd.f32 v39, v12  }
0x2f: {  	v13 =	vadd.f32 v33, v13;
	v7 =	vadd.f32 v34, v7;
	v33 =	vmul.f32 v34, v34;
	v34 =	vld [tilespmem:s15+$0x70]  }
0x30: {  	v14 =	vadd.f32 v32, v14;
	v8 =	vadd.f32 v36, v8;
	v32 =	vmul.f32 v36, v36;
	v36 =	vld [tilespmem:s15+$0x400]  }
.Ltmp0:
0x31: {  	v15 =	vadd.f32 v33, v15;
	v9 =	vadd.f32 v37, v9;
	v33 =	vmul.f32 v37, v37;
	v35 =	vld [tilespmem:s15+$0x410];
	(pc) =	sbr.rel @p0 .LBB2_2-.Ltmp0, $4  }
0x32: {  	v10 =	vadd.f32 v32, v10;
	v5 =	vadd.f32 v38, v5;
	v37 =	vmul.f32 v38, v38;
	v32 =	vld [tilespmem:s15+$0x420]  }
0x33: {  	v6 =	vadd.f32 v33, v6;
	v3 =	vadd.f32 v40, v3;
	v38 =	vmul.f32 v40, v40;
	v33 =	vld [tilespmem:s15+$0x430]  }
0x34: {  	s16 =	sadd.s32 $0x80, s16;
	v4 =	vadd.f32 v37, v4;
	v1 =	vadd.f32 v34, v1;
	v37 =	vmul.f32 v34, v34;
	v34 =	vld [tilespmem:s15+$0x440]  }
0x35: {  	s18 =	sand.u32 $0x3800, s17;
	s17 =	sadd.s32 $0x100, s17;
	s19 =	sand.u32 $0x380, s16;
	v2 =	vadd.f32 v38, v2;
	v0 =	vadd.f32 v36, v0;
	v38 =	vmul.f32 v36, v36;
	v36 =	vld [tilespmem:s15+$0x450]  }
0x36: {  	s16 =	sor.u32 s19, s18;
	v39 =	vld [tilespmem:s15+$0x460]  }
0x37: {  	v40 =	vld [tilespmem:s16+$0x470]  }
0x38: {  	v48 =	vld [tilespmem:s16+$0x0]  }
0x39: {  	v50 =	vld [tilespmem:s16+$0x10]  }
0x3a: {  	v18 =	vadd.f32 v37, v18;
	v31 =	vadd.f32 v35, v31;
	v47 =	vmul.f32 v35, v35;
	v52 =	vld [tilespmem:s16+$0x20]  }
0x3b: {  	v28 =	vadd.f32 v38, v28;
	v29 =	vadd.f32 v32, v29;
	v49 =	vmul.f32 v32, v32;
	v54 =	vld [tilespmem:s16+$0x30]  }
0x3c: {  	v55 =	vld [tilespmem:s16+$0x40];
	v24 =	vadd.f32 v47, v24;
	v27 =	vadd.f32 v33, v27;
	v51 =	vmul.f32 v33, v33  }
0x3d: {  	v57 =	vld [tilespmem:s16+$0x50];
	v22 =	vadd.f32 v49, v22;
	v23 =	vadd.f32 v34, v23;
	v53 =	vmul.f32 v34, v34  }
0x3e: {  	v41 =	vld [tilespmem:s16+$0x60];
	v25 =	vadd.f32 v51, v25;
	v26 =	vadd.f32 v36, v26;
	v56 =	vmul.f32 v36, v36  }
0x3f: {  	v59 =	vld [tilespmem:s16+$0x70];
	v21 =	vadd.f32 v53, v21;
	v30 =	vadd.f32 v39, v30;
	v39 =	vmul.f32 v39, v39  }
0x40: {  	v61 =	vld [tilespmem:s16+$0x400];
	v16 =	vadd.f32 v40, v16;
	v40 =	vmul.f32 v40, v40;
	v20 =	vadd.f32 v56, v20  }
0x41: {  	v17 =	vadd.f32 v48, v17;
	v58 =	vmul.f32 v48, v48;
	v60 =	vadd.f32 v50, v11  }
0x42: {  	v44 =	vld [tilespmem:s16+$0x430];
	v11 =	vmul.f32 v50, v50;
	v35 =	vadd.f32 v52, v7;
	v34 =	vadd.f32 v54, v8  }
0x43: {  	v47 =	vld [tilespmem:s16+$0x450];
	v7 =	vmul.f32 v54, v54;
	v33 =	vadd.f32 v55, v9;
	v32 =	vadd.f32 v57, v5  }
0x44: {  	v49 =	vld [tilespmem:s16+$0x460];
	v5 =	vmul.f32 v41, v41;
	v41 =	vadd.f32 v41, v3;
	v37 =	vadd.f32 v59, v1  }
0x45: {  	v8 =	vmul.f32 v55, v55;
	v9 =	vld [tilespmem:s16+$0x440];
	v38 =	vadd.f32 v61, v0;
	v19 =	vadd.f32 v39, v19  }
0x46: {  	v1 =	vmul.f32 v61, v61;
	v40 =	vadd.f32 v40, v12;
	v36 =	vadd.f32 v58, v13;
	v13 =	vld [tilespmem:s16+$0x410]  }
0x47: {  	v12 =	vmul.f32 v52, v52;
	v42 =	vadd.f32 v11, v14;
	v11 =	vld [tilespmem:s16+$0x420];
	v45 =	vadd.f32 v7, v10  }
0x48: {  	s30 =	simm.s32 $0x4000;
	s31 =	simm.s32 $0x2000;
	v7 =	vmul.f32 v57, v57;
	v46 =	vadd.f32 v8, v6;
	v50 =	vadd.f32 v5, v2;
	_ =	swait.ge [sflag:s9], $0x4000  }
0x49: {  	s15 =	sand.u32 $0x7800, s30;
	v3 =	vmul.f32 v59, v59;
	s16 =	sand.u32 $0x380, s31;
	v14 =	vadd.f32 v1, v28;
	v8 =	vadd.f32 v44, v27;
	[sflag:s9] =	ssyncset.done $0x0  }
0x4a: {  	s15 =	sor.u32 s16, s15;
	v43 =	vadd.f32 v12, v15;
	v48 =	vadd.f32 v7, v4;
	[sflag:s9] =	ssyncadd.s32 $0xFFFFC000  }
0x4b: {  	v15 =	vadd.f32 v3, v18;
	v4 =	vadd.f32 v47, v26;
	v18 =	vld [tilespmem:s15+$0x470];
	v0 =	vmul.f32 v13, v13  }
0x4c: {  	v3 =	vmul.f32 v49, v49;
	v6 =	vadd.f32 v9, v23;
	v23 =	vld [tilespmem:s15+$0x10];
	v1 =	vmul.f32 v11, v11  }
0x4d: {  	v26 =	vld [tilespmem:s15+$0x30];
	v12 =	vadd.f32 v13, v31;
	v13 =	vadd.f32 v0, v24;
	v0 =	vmul.f32 v44, v44  }
0x4e: {  	v2 =	vmul.f32 v9, v9;
	v10 =	vadd.f32 v11, v29;
	v11 =	vadd.f32 v1, v22;
	v1 =	vld [tilespmem:s15+$0x0]  }
0x4f: {  	v3 =	vadd.f32 v3, v19;
	v19 =	vld [tilespmem:s15+$0x40];
	v9 =	vadd.f32 v0, v25;
	v0 =	vmul.f32 v47, v47  }
0x50: {  	v7 =	vadd.f32 v2, v21;
	v2 =	vadd.f32 v49, v30;
	v25 =	vld [tilespmem:s15+$0x20]  }
0x51: {  	v28 =	vld [tilespmem:s15+$0x60];
	v22 =	vadd.f32 v23, v60;
	v5 =	vadd.f32 v0, v20  }
0x52: {  	v20 =	vmul.f32 v18, v18;
	v0 =	vadd.f32 v18, v16;
	v18 =	vmul.f32 v23, v23  }
0x53: {  	v21 =	vadd.f32 v26, v34;
	v24 =	vadd.f32 v1, v17;
	v16 =	vmul.f32 v1, v1;
	v17 =	vld [tilespmem:s15+$0x50]  }
0x54: {  	v62 =	vld [tilespmem:s15+$0x70];
	v1 =	vadd.f32 v20, v40;
	v31 =	vadd.f32 v18, v42;
	v18 =	vmul.f32 v26, v26  }
0x55: {  	v63 =	vld [tilespmem:s15+$0x400];
	v20 =	vadd.f32 v19, v33;
	v30 =	vadd.f32 v16, v36;
	v16 =	vmul.f32 v25, v25  }
0x56: {  	v36 =	vld [tilespmem:s15+$0x410];
	v27 =	vadd.f32 v18, v45;
	v18 =	vadd.f32 v28, v41;
	v28 =	vmul.f32 v28, v28  }
0x57: {  	v23 =	vadd.f32 v25, v35;
	v35 =	vld [tilespmem:s15+$0x420];
	v29 =	vadd.f32 v16, v43;
	v16 =	vmul.f32 v19, v19  }
0x58: {  	v33 =	vld [tilespmem:s15+$0x430];
	v19 =	vadd.f32 v17, v32;
	v17 =	vmul.f32 v17, v17;
	v28 =	vadd.f32 v28, v50  }
0x59: {  	s17 =	simm.s32 $0x4100;
	s16 =	simm.s32 $0x2080;
	v32 =	vld [tilespmem:s15+$0x440];
	v25 =	vadd.f32 v16, v46;
	v16 =	vadd.f32 v62, v37;
	v37 =	vmul.f32 v62, v62  }
0x5a: {  	s18 =	sand.u32 $0x7800, s17;
	s17 =	simm.s32 $0x4200;
	s19 =	sand.u32 $0x380, s16;
	v34 =	vld [tilespmem:s15+$0x450];
	v26 =	vadd.f32 v17, v48;
	v17 =	vadd.f32 v63, v38;
	v38 =	vmul.f32 v63, v63  }
.LBB2_4:
0x5b: {  	p0 =	sne.s32 s17, $0x7F00;
	v15 =	vadd.f32 v37, v15;
	v12 =	vadd.f32 v36, v12;
	v36 =	vmul.f32 v36, v36;
	v37 =	vld [tilespmem:s15+$0x460];
	s15 =	sor.u32 s19, s18  }
0x5c: {  	v39 =	vld [tilespmem:s15+$0x470];
	v14 =	vadd.f32 v38, v14;
	v10 =	vadd.f32 v35, v10;
	v35 =	vmul.f32 v35, v35  }
0x5d: {  	v38 =	vld [tilespmem:s15+$0x0];
	v13 =	vadd.f32 v36, v13;
	v8 =	vadd.f32 v33, v8;
	v33 =	vmul.f32 v33, v33  }
0x5e: {  	v36 =	vld [tilespmem:s15+$0x10];
	v11 =	vadd.f32 v35, v11;
	v6 =	vadd.f32 v32, v6;
	v32 =	vmul.f32 v32, v32  }
0x5f: {  	v35 =	vld [tilespmem:s15+$0x20];
	v9 =	vadd.f32 v33, v9;
	v4 =	vadd.f32 v34, v4;
	v33 =	vmul.f32 v34, v34  }
0x60: {  	v34 =	vld [tilespmem:s15+$0x30];
	v7 =	vadd.f32 v32, v7;
	v2 =	vadd.f32 v37, v2;
	v32 =	vmul.f32 v37, v37  }
0x61: {  	v37 =	vld [tilespmem:s15+$0x40];
	v0 =	vadd.f32 v39, v0;
	v39 =	vmul.f32 v39, v39;
	v5 =	vadd.f32 v33, v5  }
0x62: {  	v24 =	vadd.f32 v38, v24;
	v33 =	vmul.f32 v38, v38;
	v38 =	vld [tilespmem:s15+$0x50];
	v3 =	vadd.f32 v32, v3  }
0x63: {  	v22 =	vadd.f32 v36, v22;
	v32 =	vmul.f32 v36, v36;
	v40 =	vld [tilespmem:s15+$0x60];
	v1 =	vadd.f32 v39, v1  }
0x64: {  	v30 =	vadd.f32 v33, v30;
	v23 =	vadd.f32 v35, v23;
	v33 =	vmul.f32 v35, v35;
	v39 =	vld [tilespmem:s15+$0x70]  }
0x65: {  	v31 =	vadd.f32 v32, v31;
	v21 =	vadd.f32 v34, v21;
	v32 =	vmul.f32 v34, v34;
	v34 =	vld [tilespmem:s15+$0x400]  }
.Ltmp1:
0x66: {  	v29 =	vadd.f32 v33, v29;
	v20 =	vadd.f32 v37, v20;
	v33 =	vmul.f32 v37, v37;
	v36 =	vld [tilespmem:s15+$0x410];
	(pc) =	sbr.rel @p0 .LBB2_4-.Ltmp1, $4  }
0x67: {  	v27 =	vadd.f32 v32, v27;
	v19 =	vadd.f32 v38, v19;
	v32 =	vmul.f32 v38, v38;
	v35 =	vld [tilespmem:s15+$0x420]  }
0x68: {  	v25 =	vadd.f32 v33, v25;
	v18 =	vadd.f32 v40, v18;
	v38 =	vmul.f32 v40, v40;
	v33 =	vld [tilespmem:s15+$0x430]  }
0x69: {  	s16 =	sadd.s32 $0x80, s16;
	v26 =	vadd.f32 v32, v26;
	v16 =	vadd.f32 v39, v16;
	v37 =	vmul.f32 v39, v39;
	v32 =	vld [tilespmem:s15+$0x440]  }
0x6a: {  	s18 =	sand.u32 $0x7800, s17;
	s17 =	sadd.s32 $0x100, s17;
	s19 =	sand.u32 $0x380, s16;
	v28 =	vadd.f32 v38, v28;
	v17 =	vadd.f32 v34, v17;
	v38 =	vmul.f32 v34, v34;
	v34 =	vld [tilespmem:s15+$0x450]  }
0x6b: {  	s16 =	sor.u32 s19, s18;
	v39 =	vld [tilespmem:s15+$0x460]  }
0x6c: {  	v40 =	vld [tilespmem:s16+$0x470]  }
0x6d: {  	v41 =	vld [tilespmem:s16+$0x0]  }
0x6e: {  	v42 =	vld [tilespmem:s16+$0x10]  }
0x6f: {  	v43 =	vld [tilespmem:s16+$0x20]  }
0x70: {  	v44 =	vld [tilespmem:s16+$0x30]  }
0x71: {  	v45 =	vld [tilespmem:s16+$0x40]  }
0x72: {  	v46 =	vld [tilespmem:s16+$0x50]  }
0x73: {  	v47 =	vld [tilespmem:s16+$0x60]  }
0x74: {  	v48 =	vld [tilespmem:s16+$0x70]  }
0x75: {  	v49 =	vld [tilespmem:s16+$0x400]  }
0x76: {  	v50 =	vld [tilespmem:s16+$0x410]  }
0x77: {  	v51 =	vld [tilespmem:s16+$0x420]  }
0x78: {  	v52 =	vld [tilespmem:s16+$0x430]  }
0x79: {  	v54 =	vld [tilespmem:s16+$0x440];
	v53 =	vmul.f32 v41, v41;
	v24 =	vadd.f32 v41, v24  }
0x7a: {  	v41 =	vld [tilespmem:s16+$0x450];
	v22 =	vadd.f32 v42, v22  }
0x7b: {  	v23 =	vadd.f32 v43, v23;
	v30 =	vadd.f32 v53, v30;
	v53 =	vld [tilespmem:s16+$0x460];
	[tilespmem:$0x8000] =	vst v24  }
0x7c: {  	v21 =	vadd.f32 v44, v21;
	[tilespmem:$0x8010] =	vst v22  }
0x7d: {  	v20 =	vadd.f32 v45, v20;
	[tilespmem:$0x8020] =	vst v23  }
0x7e: {  	v19 =	vadd.f32 v46, v19;
	[tilespmem:$0x8030] =	vst v21  }
0x7f: {  	v18 =	vadd.f32 v47, v18;
	[tilespmem:$0x8040] =	vst v20  }
0x80: {  	v12 =	vadd.f32 v36, v12;
	v16 =	vadd.f32 v48, v16;
	[tilespmem:$0x8050] =	vst v19  }
0x81: {  	v10 =	vadd.f32 v35, v10;
	v17 =	vadd.f32 v49, v17;
	[tilespmem:$0x8060] =	vst v18  }
0x82: {  	v8 =	vadd.f32 v33, v8;
	v12 =	vadd.f32 v50, v12;
	[tilespmem:$0x8070] =	vst v16  }
0x83: {  	v6 =	vadd.f32 v32, v6;
	v10 =	vadd.f32 v51, v10;
	[tilespmem:$0x8080] =	vst v17  }
0x84: {  	v8 =	vadd.f32 v52, v8;
	[tilespmem:$0x8090] =	vst v12  }
0x85: {  	v6 =	vadd.f32 v54, v6;
	[tilespmem:$0x80A0] =	vst v10  }
0x86: {  	v55 =	vmul.f32 v42, v42;
	v0 =	vadd.f32 v40, v0;
	[tilespmem:$0x80B0] =	vst v8  }
0x87: {  	v61 =	vmul.f32 v43, v43;
	[tilespmem:$0x80C0] =	vst v6  }
0x88: {  	v15 =	vadd.f32 v37, v15;
	v63 =	vmul.f32 v44, v44;
	v60 =	vadd.f32 v55, v31;
	[tilespmem:$0x80F0] =	vst v0  }
0x89: {  	v56 =	vmul.f32 v32, v32;
	v43 =	vmul.f32 v47, v47;
	v62 =	vadd.f32 v61, v29;
	[tilespmem:$0x8100] =	vst v30  }
0x8a: {  	v14 =	vadd.f32 v38, v14;
	v44 =	vmul.f32 v48, v48;
	v27 =	vadd.f32 v63, v27;
	[tilespmem:$0x8110] =	vst v60  }
0x8b: {  	v7 =	vadd.f32 v56, v7;
	v59 =	vmul.f32 v54, v54;
	v21 =	vadd.f32 v43, v28;
	[tilespmem:$0x8120] =	vst v62  }
0x8c: {  	v58 =	vmul.f32 v34, v34;
	v29 =	vmul.f32 v45, v45;
	v15 =	vadd.f32 v44, v15;
	[tilespmem:$0x8130] =	vst v27  }
0x8d: {  	v47 =	vmul.f32 v35, v35;
	v31 =	vmul.f32 v46, v46;
	v7 =	vadd.f32 v59, v7;
	[tilespmem:$0x8160] =	vst v21  }
0x8e: {  	v4 =	vadd.f32 v34, v4;
	v46 =	vmul.f32 v49, v49;
	v30 =	vadd.f32 v29, v25;
	[tilespmem:$0x8170] =	vst v15  }
0x8f: {  	v11 =	vadd.f32 v47, v11;
	v55 =	vmul.f32 v51, v51;
	v42 =	vadd.f32 v31, v26;
	[tilespmem:$0x81C0] =	vst v7  }
0x90: {  	v45 =	vmul.f32 v36, v36;
	v63 =	vmul.f32 v40, v40;
	v14 =	vadd.f32 v46, v14;
	[tilespmem:$0x8140] =	vst v30  }
0x91: {  	v5 =	vadd.f32 v58, v5;
	v49 =	vmul.f32 v33, v33;
	v11 =	vadd.f32 v55, v11;
	[tilespmem:$0x8150] =	vst v42  }
0x92: {  	v48 =	vmul.f32 v50, v50;
	v13 =	vadd.f32 v45, v13;
	v1 =	vadd.f32 v63, v1;
	[tilespmem:$0x8180] =	vst v14  }
0x93: {  	v57 =	vmul.f32 v52, v52;
	v9 =	vadd.f32 v49, v9;
	v4 =	vadd.f32 v41, v4;
	[tilespmem:$0x81A0] =	vst v11  }
0x94: {  	v60 =	vmul.f32 v39, v39;
	v61 =	vmul.f32 v41, v41;
	v13 =	vadd.f32 v48, v13;
	[tilespmem:$0x81F0] =	vst v1  }
0x95: {  	v2 =	vadd.f32 v39, v2;
	v9 =	vadd.f32 v57, v9;
	[tilespmem:$0x80D0] =	vst v4  }
0x96: {  	v3 =	vadd.f32 v60, v3;
	v62 =	vmul.f32 v53, v53;
	v5 =	vadd.f32 v61, v5;
	[tilespmem:$0x8190] =	vst v13  }
0x97: {  	v2 =	vadd.f32 v53, v2;
	[tilespmem:$0x81B0] =	vst v9  }
0x98: {  	s14 =	sadd.s32 $0x1, s14;
	v3 =	vadd.f32 v62, v3;
	[tilespmem:$0x81D0] =	vst v5  }
0x99: {  	p0 =	sne.s32 s14, s6;
	[tilespmem:$0x80E0] =	vst v2  }
.Ltmp2:
0x9a: {  	[tilespmem:$0x81E0] =	vst v3;
	(pc) =	sbr.rel @p0 .LBB2_1-.Ltmp2, $4  }
0x9b: {  	[hbm4b:s5+s10] =	stream.strided.scatter [tilespmem:s12], [sflag:$0x3], $0x200, s11, s10, $0x38;
	[tilespmem:$0x8200] =	vst v63  }
0x9c: {  	_ =	swait.ge [sflag:s13], $0x200  }
0x9d: {  	[sflag:s13] =	ssyncset.done $0x0  }
0x9e: {  	[sflag:s13] =	ssyncadd.s32 $0xFFFFFE00  }
0x9f: {  	_ =	sfence.sel $0x180000  }
0xa0: {  	[bflag:$0x0] =	sbarrier.arrive $0xFFFF  }
0xa1: {  	p0 =	sne.s32 s1, $0x0;
	_ =	strace $0x90000047  }
0xa2: {  	s0 =	sadd.s32 @!p0 $0x100000, s0;
	[bflag:$0x2] =	sbarrier.arrive $0xFFFF  }
0xa3: {  	[sflag:s0] =	ssyncadd.tile.s32 @!p0 $0x1;
	_ =	shalt  }
.Lfunc_end2:
_tile_overlayer_lowered:
.L_overlay_start_2:
0xa4: {  	(tag) =	ssettag $0x2  }
0xa5: {  	s0 =	rddreg [dreg:$0x0];
	s2 =	stileid.u32  }
0xa6: {  	s1 =	rddreg [dreg:$0x1];
	p0 =	sne.s32 s2, $0x0  }
0xa7: {  	s3 =	rddreg [dreg:$0x2];
	[bflag:$0x3] =	sbarrier.arrive $0xFFFF;
	s2 =	simm.s32 @!p0 $0x1C03  }
0xa8: {  	[timem:s3], [sflag:s2] =	dma.local @!p0 [hbm:s0], s1  }
0xa9: {  	s0 =	simm.s32 @!p0 $0x3  }
0xaa: {  	_ =	swait.ge @!p0 [sflag:s0], s1  }
0xab: {  	s1 =	ssub.s32 @!p0 $0x0, s1;
	[sflag:s0] =	ssyncset.done @!p0 $0x0  }
0xac: {  	[sflag:s0] =	ssyncadd.s32 @!p0 s1  }
0xad: {  	[bflag:$0x3] =	sbarrier.arrive $0xFFFF  }
0xae: {  	_ =	shalt  }

</sc_bundles>
